<compile_context>
chip_gen: v7x
topology: tpu7x:2x2x1
jax: 0.10.2.dev20260603
libtpu: 0.0.44.dev20260713+nightly
codegen_flags: <defaults>
</compile_context>

<pallas_src>
import numpy as np
import jax
import jax.numpy as jnp
from jax import lax
from jax.experimental import pallas as pl
from jax.experimental.pallas import tpu as pltpu
from jax.experimental.pallas import tpu_sc as plsc

IN_H = IN_W = 384
OUT_H = OUT_W = 384
LPD = 0.72
NC, NS = 2, 16
NW = NC * NS
N_IMG = 4 * 96
BAND = OUT_H // NW
CHUNK = BAND * OUT_W

RCUTS = (0, 224, 256, 304, 336, 368, 384)
RBOX = ((24, 24), (24, 24), (40, 40), (48, 48), (64, 64), (56, 56))
NR = len(RBOX)
STACK = tuple(int(np.cumsum([0] + [bh for bh, _ in RBOX])[k]) for k in range(NR))
NROWS = sum(bh for bh, _ in RBOX)
ZROWS = 8
BUF_H, BUF_W = NROWS + ZROWS, 64
NGRP = CHUNK // 16


def _build_tables():
    max_r = np.float32(np.log(np.float32(np.hypot(np.float32(IN_H), np.float32(IN_W)) / 2.0 * LPD)))
    theta, r = np.meshgrid(np.arange(OUT_H, dtype=np.float32),
                           np.arange(OUT_W, dtype=np.float32), indexing="ij")
    X = np.exp(r * max_r / OUT_W) * np.cos(theta * 2.0 * np.pi / OUT_H)
    Y = np.exp(r * max_r / OUT_W) * np.sin(theta * 2.0 * np.pi / OUT_H)
    X = IN_W / 2.0 + X
    Y = IN_H / 2.0 - Y
    mask = (0 <= X) & (X < IN_H) & (0 <= Y) & (Y < IN_W)
    yi = np.clip(Y.astype(np.int32), 0, IN_H - 1)
    xi = np.clip(X.astype(np.int32), 0, IN_W - 1)

    pidx = np.empty((NW, BAND, OUT_W), dtype=np.int32)
    packed = [[0] * NW for _ in range(NR)]
    for t in range(NW):
        rows = slice(t * BAND, (t + 1) * BAND)
        for k in range(NR):
            c0, c1 = RCUTS[k], RCUTS[k + 1]
            bh, bw = RBOX[k]
            m = mask[rows, c0:c1]
            yy = yi[rows, c0:c1]
            xx = xi[rows, c0:c1]
            y0 = min(int(yy[m].min()) & ~7, IN_H - bh)
            x0 = min(int(xx[m].min()) & ~7, IN_W - bw)
            iy = yy - y0
            ix = xx - x0
            assert (iy[m] >= 0).all() and (iy[m] < bh).all()
            assert (ix[m] >= 0).all() and (ix[m] < bw).all()
            p = ((STACK[k] + iy).astype(np.int64) << 6) | ix.astype(np.int64)
            pos = np.arange(p.size).reshape(p.shape)
            pz = ((NROWS + pos % ZROWS) << 6) | (pos % BUF_W)
            pidx[t, :, c0:c1] = np.where(m, p, pz).astype(np.int32)
            packed[k][t] = (y0 << 9) | x0
    pidx = pidx.reshape(NW, BAND, OUT_W).astype(np.int64)
    outpos = (np.arange(BAND)[:, None] * OUT_W + np.arange(OUT_W)[None, :]).astype(np.int64)
    comb = (outpos[None] << 15) | pidx
    g_, k_ = np.meshgrid(np.arange(24), np.arange(16), indexing="ij")
    perm = (16 * ((g_ + 3 * k_) % 24) + k_).reshape(-1)
    order = comb[:, :, perm]
    return order.reshape(-1).astype(np.int32), tuple(tuple(col) for col in packed)


_PIDX, _PACKED = _build_tables()


def _scalar_table_lookup(wid, table):
    val = jnp.int32(table[0])
    for t in range(1, NW):
        val = jnp.where(wid == t, jnp.int32(table[t]), val)
    return val


def _sc_body(data_hbm, pidx_hbm, out_hbm, pidx_v, outb0, outb1, box0, box1,
             isem0, isem1, osem0, osem1):
    boxes = [box0, box1]
    isem = [isem0, isem1]
    osem = [osem0, osem1]
    outb = [outb0, outb1]

    cid = lax.axis_index("c")
    sid = lax.axis_index("s")
    wid = cid * NS + sid
    base = wid * CHUNK
    pltpu.sync_copy(pidx_hbm.at[pl.ds(base, CHUNK)], pidx_v)

    offs = []
    for k in range(NR):
        pk = _scalar_table_lookup(wid, _PACKED[k])
        y0 = pl.multiple_of(lax.shift_right_logical(pk, 9), 8)
        x0 = pl.multiple_of(lax.bitwise_and(pk, 511), 8)
        offs.append((y0, x0))

    zero16 = jnp.zeros((16,), jnp.float32)
    for s in range(2):
        for zr in range(ZROWS):
            for zc in range(BUF_W // 16):
                boxes[s][NROWS + zr, pl.ds(zc * 16, 16)] = zero16

    def box_copy(g, s, k):
        bh, bw = RBOX[k]
        y0, x0 = offs[k]
        return pltpu.make_async_copy(
            data_hbm.at[g, pl.ds(y0, bh), pl.ds(x0, bw)],
            boxes[s].at[pl.ds(STACK[k], bh), pl.ds(0, bw)], isem[s])

    def out_copy(g, s):
        return pltpu.make_async_copy(
            outb[s], out_hbm.at[g, pl.ds(base, CHUNK)], osem[s])

    def gather(s):
        @plsc.parallel_loop(0, NGRP, 1, unroll=8)
        def _g(j):
            o = j * 16
            pv = pidx_v[pl.ds(o, 16)]
            sidx = lax.shift_right_logical(pv, 15)
            ba = lax.bitwise_and(pv, 32767)
            iy = lax.shift_right_logical(ba, 6)
            ix = lax.bitwise_and(ba, 63)
            gv = plsc.load_gather(boxes[s], [iy, ix])
            plsc.store_scatter(outb[s], [sidx], gv)

    def half(p, g, s):
        for k in range(NR):
            box_copy(g, s, k).wait()
        @pl.when(g + 1 < N_IMG)
        def _pref():
            for k in range(NR):
                box_copy(g + 1, 1 - s, k).start()
        @pl.when(p > 0)
        def _drain():
            out_copy(g, s).wait()
        gather(s)
        out_copy(g, s).start()

    def pair(p, carry):
        half(p, 2 * p, 0)
        half(p, 2 * p + 1, 1)
        return carry

    for k in range(NR):
        box_copy(0, 0, k).start()
    lax.fori_loop(0, N_IMG // 2, pair, 0)
    out_copy(N_IMG - 2, 0).wait()
    out_copy(N_IMG - 1, 1).wait()


def kernel(data):
    b, c, h, w = data.shape
    data3 = data.reshape(b * c, h, w)
    pidx = jnp.asarray(_PIDX)
    mesh = plsc.VectorSubcoreMesh(core_axis_name="c", subcore_axis_name="s",
                                  num_cores=NC, num_subcores=NS)
    scratch = [pltpu.VMEM((CHUNK,), jnp.int32),
               pltpu.VMEM((CHUNK,), jnp.float32),
               pltpu.VMEM((CHUNK,), jnp.float32),
               pltpu.VMEM((BUF_H, BUF_W), jnp.float32),
               pltpu.VMEM((BUF_H, BUF_W), jnp.float32)]
    scratch += [pltpu.SemaphoreType.DMA] * 4
    run = pl.kernel(
        _sc_body,
        out_type=jax.ShapeDtypeStruct((N_IMG, OUT_H * OUT_W), jnp.float32),
        mesh=mesh,
        scratch_types=scratch,
        compiler_params=pltpu.CompilerParams(use_tc_tiling_on_sc=False,
                                             needs_layout_passes=False,
                                             skip_device_barrier=True),
    )
    out = run(data3, pidx)
    return out.reshape(b, c, OUT_H, OUT_W)

# --- scband reference (transcript-rebuilt; emitter-appended) ---
"""Pipeline reference for scband-log-polar-31568009625659 (READ-ONLY COPY).

The authoritative reference and input builder live on the scoring server;
editing this copy changes nothing except your own understanding.
"""

import jax, jax.numpy as jnp
import numpy as np

IN_H, IN_W = 384, 384
OUT_H, OUT_W = 384, 384
LPD = 0.72


def _compute_map():
    max_r = jnp.log(jnp.linalg.norm(jnp.array([IN_H, IN_W], dtype=jnp.float32)) / 2.0 * LPD)
    theta, r = jnp.meshgrid(jnp.arange(OUT_H, dtype=jnp.float32), jnp.arange(OUT_W, dtype=jnp.float32), indexing='ij')
    X = jnp.exp(r * max_r / OUT_W) * jnp.cos(theta * 2.0 * jnp.pi / OUT_H)
    Y = jnp.exp(r * max_r / OUT_W) * jnp.sin(theta * 2.0 * jnp.pi / OUT_H)
    return X, Y


def setup_inputs(seed: int = 0) -> dict:
    key = jax.random.key(seed)
    data = jax.random.normal(key, (4, 96, IN_H, IN_W), dtype=jnp.float32)
    return {"data": data}


def reference(data):
    X, Y = _compute_map()
    center_y, center_x = IN_H / 2.0, IN_W / 2.0
    X = center_x + X
    Y = center_y - Y
    # compute_mask uses input_shape[0] bound for X and input_shape[1] bound for Y
    mask = (0 <= X) & (X < IN_H) & (0 <= Y) & (Y < IN_W)
    # torch .long() truncates toward zero, same as astype(int32) in jax
    yi = jnp.clip(Y.astype(jnp.int32), 0, data.shape[-2] - 1)
    xi = jnp.clip(X.astype(jnp.int32), 0, data.shape[-1] - 1)
    # smoothing=None path: masked nearest-neighbor gather
    return mask * data[..., yi, xi]

if __name__ == "__main__":
    import jax
    _d = setup_inputs()
    print(jax.jit(kernel)(*tuple(_d.values())))

</pallas_src>

<mosaic_0001>
#map = affine_map<(d0, d1) -> (0, 0, 0)>
#map1 = affine_map<(d0, d1) -> (0)>
#map2 = affine_map<(d0, d1) -> (0, 0)>
module attributes {stable_mosaic.version = 14 : i64} {
  func.func @_sc_body(%arg0: i32, %arg1: i32, %arg2: memref<384x384x384xf32, #tpu.memory_space<hbm>>, %arg3: memref<147456xi32, #tpu.memory_space<hbm>>, %arg4: memref<384x147456xf32, #tpu.memory_space<hbm>>, %arg5: memref<4608xi32, #tpu.memory_space<vmem>>, %arg6: memref<4608xf32, #tpu.memory_space<vmem>>, %arg7: memref<4608xf32, #tpu.memory_space<vmem>>, %arg8: memref<264x64xf32, #tpu.memory_space<vmem>>, %arg9: memref<264x64xf32, #tpu.memory_space<vmem>>, %arg10: memref<!tpu.dma_semaphore, #tpu.memory_space<semaphore_mem>>, %arg11: memref<!tpu.dma_semaphore, #tpu.memory_space<semaphore_mem>>, %arg12: memref<!tpu.dma_semaphore, #tpu.memory_space<semaphore_mem>>, %arg13: memref<!tpu.dma_semaphore, #tpu.memory_space<semaphore_mem>>) attributes {dimension_semantics = [#tpu.dimension_semantics<core_parallel>, #tpu.dimension_semantics<subcore_parallel>], iteration_bounds = array<i64: 2, 16>, scalar_prefetch = 0 : i64, scratch_operands = 9 : i64, tpu.core_type = #tpu.core_type<sc_vector_subcore>, window_params = [{transform_indices = #map}, {transform_indices = #map1}, {transform_indices = #map2}]} {
    %mul3A = arith.constant 16 : i32
    %mul3A_0 = arith.muli %arg0, %mul3A : i32
    %add3A = arith.addi %mul3A_0, %arg1 : i32
    %mul3A_1 = arith.constant 4608 : i32
    %mul3A_2 = arith.muli %add3A, %mul3A_1 : i32
    "tpu.region"() ({
      %run_scoped3A = tpu.sem_alloc : memref<!tpu.dma_semaphore, #tpu.memory_space<semaphore_mem>>
      %dma_start3A_1118 = tpu.memref_slice %arg3[%mul3A_2] : memref<147456xi32, #tpu.memory_space<hbm>> -> memref<4608xi32, #tpu.memory_space<hbm>>
      %dma_start3A_1119 = tpu.memref_slice %arg3[%mul3A_2] : memref<147456xi32, #tpu.memory_space<hbm>> -> memref<4608xi32, #tpu.memory_space<hbm>>
      tpu.enqueue_dma source(%dma_start3A_1119 : memref<4608xi32, #tpu.memory_space<hbm>>) target(%arg5 : memref<4608xi32, #tpu.memory_space<vmem>>) target_semaphore(%run_scoped3A : memref<!tpu.dma_semaphore, #tpu.memory_space<semaphore_mem>>)
      %dma_wait3A_1120 = tpu.memref_slice %arg3[%mul3A_2] : memref<147456xi32, #tpu.memory_space<hbm>> -> memref<4608xi32, #tpu.memory_space<hbm>>
      %dma_wait3A_1121 = tpu.memref_slice %arg3[%mul3A_2] : memref<147456xi32, #tpu.memory_space<hbm>> -> memref<4608xi32, #tpu.memory_space<hbm>>
      tpu.wait_dma2 semaphore(%run_scoped3A : memref<!tpu.dma_semaphore, #tpu.memory_space<semaphore_mem>>) src(%dma_wait3A_1121 : memref<4608xi32, #tpu.memory_space<hbm>>) dst(%arg5 : memref<4608xi32, #tpu.memory_space<vmem>>)
      tpu.yield
    }) : () -> ()
    %eq3A = arith.constant 1 : i32
    %eq3A_3 = arith.cmpi eq, %add3A, %eq3A : i32
    %jit3A = arith.constant 94400 : i32
    %jit3A_4 = arith.constant 94400 : i32
    %select_n3A = arith.select %eq3A_3, %jit3A, %jit3A_4 : i32
    %eq3A_5 = arith.constant 2 : i32
    %eq3A_6 = arith.cmpi eq, %add3A, %eq3A_5 : i32
    %jit3A_7 = arith.constant 90304 : i32
    %select_n3A_8 = arith.select %eq3A_6, %jit3A_7, %select_n3A : i32
    %eq3A_9 = arith.constant 3 : i32
    %eq3A_10 = arith.cmpi eq, %add3A, %eq3A_9 : i32
    %jit3A_11 = arith.constant 90304 : i32
    %select_n3A_12 = arith.select %eq3A_10, %jit3A_11, %select_n3A_8 : i32
    %eq3A_13 = arith.constant 4 : i32
    %eq3A_14 = arith.cmpi eq, %add3A, %eq3A_13 : i32
    %jit3A_15 = arith.constant 86208 : i32
    %select_n3A_16 = arith.select %eq3A_14, %jit3A_15, %select_n3A_12 : i32
    %eq3A_17 = arith.constant 5 : i32
    %eq3A_18 = arith.cmpi eq, %add3A, %eq3A_17 : i32
    %jit3A_19 = arith.constant 86208 : i32
    %select_n3A_20 = arith.select %eq3A_18, %jit3A_19, %select_n3A_16 : i32
    %eq3A_21 = arith.constant 6 : i32
    %eq3A_22 = arith.cmpi eq, %add3A, %eq3A_21 : i32
    %jit3A_23 = arith.constant 86208 : i32
    %select_n3A_24 = arith.select %eq3A_22, %jit3A_23, %select_n3A_20 : i32
    %eq3A_25 = arith.constant 7 : i32
    %eq3A_26 = arith.cmpi eq, %add3A, %eq3A_25 : i32
    %jit3A_27 = arith.constant 86208 : i32
    %select_n3A_28 = arith.select %eq3A_26, %jit3A_27, %select_n3A_24 : i32
    %eq3A_29 = arith.constant 8 : i32
    %eq3A_30 = arith.cmpi eq, %add3A, %eq3A_29 : i32
    %jit3A_31 = arith.constant 86200 : i32
    %select_n3A_32 = arith.select %eq3A_30, %jit3A_31, %select_n3A_28 : i32
    %eq3A_33 = arith.constant 9 : i32
    %eq3A_34 = arith.cmpi eq, %add3A, %eq3A_33 : i32
    %jit3A_35 = arith.constant 86200 : i32
    %select_n3A_36 = arith.select %eq3A_34, %jit3A_35, %select_n3A_32 : i32
    %eq3A_37 = arith.constant 10 : i32
    %eq3A_38 = arith.cmpi eq, %add3A, %eq3A_37 : i32
    %jit3A_39 = arith.constant 86192 : i32
    %select_n3A_40 = arith.select %eq3A_38, %jit3A_39, %select_n3A_36 : i32
    %eq3A_41 = arith.constant 11 : i32
    %eq3A_42 = arith.cmpi eq, %add3A, %eq3A_41 : i32
    %jit3A_43 = arith.constant 86192 : i32
    %select_n3A_44 = arith.select %eq3A_42, %jit3A_43, %select_n3A_40 : i32
    %eq3A_45 = arith.constant 12 : i32
    %eq3A_46 = arith.cmpi eq, %add3A, %eq3A_45 : i32
    %jit3A_47 = arith.constant 90280 : i32
    %select_n3A_48 = arith.select %eq3A_46, %jit3A_47, %select_n3A_44 : i32
    %eq3A_49 = arith.constant 13 : i32
    %eq3A_50 = arith.cmpi eq, %add3A, %eq3A_49 : i32
    %jit3A_51 = arith.constant 90280 : i32
    %select_n3A_52 = arith.select %eq3A_50, %jit3A_51, %select_n3A_48 : i32
    %eq3A_53 = arith.constant 14 : i32
    %eq3A_54 = arith.cmpi eq, %add3A, %eq3A_53 : i32
    %jit3A_55 = arith.constant 90280 : i32
    %select_n3A_56 = arith.select %eq3A_54, %jit3A_55, %select_n3A_52 : i32
    %eq3A_57 = arith.constant 15 : i32
    %eq3A_58 = arith.cmpi eq, %add3A, %eq3A_57 : i32
    %jit3A_59 = arith.constant 94376 : i32
    %select_n3A_60 = arith.select %eq3A_58, %jit3A_59, %select_n3A_56 : i32
    %eq3A_61 = arith.constant 16 : i32
    %eq3A_62 = arith.cmpi eq, %add3A, %eq3A_61 : i32
    %jit3A_63 = arith.constant 98472 : i32
    %select_n3A_64 = arith.select %eq3A_62, %jit3A_63, %select_n3A_60 : i32
    %eq3A_65 = arith.constant 17 : i32
    %eq3A_66 = arith.cmpi eq, %add3A, %eq3A_65 : i32
    %jit3A_67 = arith.constant 98472 : i32
    %select_n3A_68 = arith.select %eq3A_66, %jit3A_67, %select_n3A_64 : i32
    %eq3A_69 = arith.constant 18 : i32
    %eq3A_70 = arith.cmpi eq, %add3A, %eq3A_69 : i32
    %jit3A_71 = arith.constant 98472 : i32
    %select_n3A_72 = arith.select %eq3A_70, %jit3A_71, %select_n3A_68 : i32
    %eq3A_73 = arith.constant 19 : i32
    %eq3A_74 = arith.cmpi eq, %add3A, %eq3A_73 : i32
    %jit3A_75 = arith.constant 98472 : i32
    %select_n3A_76 = arith.select %eq3A_74, %jit3A_75, %select_n3A_72 : i32
    %eq3A_77 = arith.constant 20 : i32
    %eq3A_78 = arith.cmpi eq, %add3A, %eq3A_77 : i32
    %jit3A_79 = arith.constant 98480 : i32
    %select_n3A_80 = arith.select %eq3A_78, %jit3A_79, %select_n3A_76 : i32
    %eq3A_81 = arith.constant 21 : i32
    %eq3A_82 = arith.cmpi eq, %add3A, %eq3A_81 : i32
    %jit3A_83 = arith.constant 98480 : i32
    %select_n3A_84 = arith.select %eq3A_82, %jit3A_83, %select_n3A_80 : i32
    %eq3A_85 = arith.constant 22 : i32
    %eq3A_86 = arith.cmpi eq, %add3A, %eq3A_85 : i32
    %jit3A_87 = arith.constant 98480 : i32
    %select_n3A_88 = arith.select %eq3A_86, %jit3A_87, %select_n3A_84 : i32
    %eq3A_89 = arith.constant 23 : i32
    %eq3A_90 = arith.cmpi eq, %add3A, %eq3A_89 : i32
    %jit3A_91 = arith.constant 98488 : i32
    %select_n3A_92 = arith.select %eq3A_90, %jit3A_91, %select_n3A_88 : i32
    %eq3A_93 = arith.constant 24 : i32
    %eq3A_94 = arith.cmpi eq, %add3A, %eq3A_93 : i32
    %jit3A_95 = arith.constant 98496 : i32
    %select_n3A_96 = arith.select %eq3A_94, %jit3A_95, %select_n3A_92 : i32
    %eq3A_97 = arith.constant 25 : i32
    %eq3A_98 = arith.cmpi eq, %add3A, %eq3A_97 : i32
    %jit3A_99 = arith.constant 98496 : i32
    %select_n3A_100 = arith.select %eq3A_98, %jit3A_99, %select_n3A_96 : i32
    %eq3A_101 = arith.constant 26 : i32
    %eq3A_102 = arith.cmpi eq, %add3A, %eq3A_101 : i32
    %jit3A_103 = arith.constant 98496 : i32
    %select_n3A_104 = arith.select %eq3A_102, %jit3A_103, %select_n3A_100 : i32
    %eq3A_105 = arith.constant 27 : i32
    %eq3A_106 = arith.cmpi eq, %add3A, %eq3A_105 : i32
    %jit3A_107 = arith.constant 98496 : i32
    %select_n3A_108 = arith.select %eq3A_106, %jit3A_107, %select_n3A_104 : i32
    %eq3A_109 = arith.constant 28 : i32
    %eq3A_110 = arith.cmpi eq, %add3A, %eq3A_109 : i32
    %jit3A_111 = arith.constant 98496 : i32
    %select_n3A_112 = arith.select %eq3A_110, %jit3A_111, %select_n3A_108 : i32
    %eq3A_113 = arith.constant 29 : i32
    %eq3A_114 = arith.cmpi eq, %add3A, %eq3A_113 : i32
    %jit3A_115 = arith.constant 98496 : i32
    %select_n3A_116 = arith.select %eq3A_114, %jit3A_115, %select_n3A_112 : i32
    %eq3A_117 = arith.constant 30 : i32
    %eq3A_118 = arith.cmpi eq, %add3A, %eq3A_117 : i32
    %jit3A_119 = arith.constant 98496 : i32
    %select_n3A_120 = arith.select %eq3A_118, %jit3A_119, %select_n3A_116 : i32
    %eq3A_121 = arith.constant 31 : i32
    %eq3A_122 = arith.cmpi eq, %add3A, %eq3A_121 : i32
    %jit3A_123 = arith.constant 98496 : i32
    %select_n3A_124 = arith.select %eq3A_122, %jit3A_123, %select_n3A_120 : i32
    %shift_right_logical3A = arith.constant 9 : i32
    %shift_right_logical3A_125 = arith.shrui %select_n3A_124, %shift_right_logical3A : i32
    %multiple_of3A = tpu.assume_multiple %shift_right_logical3A_125, 8 : i32
    %and3A = arith.constant 511 : i32
    %and3A_126 = arith.andi %select_n3A_124, %and3A : i32
    %multiple_of3A_127 = tpu.assume_multiple %and3A_126, 8 : i32
    %eq3A_128 = arith.constant 1 : i32
    %eq3A_129 = arith.cmpi eq, %add3A, %eq3A_128 : i32
    %jit3A_130 = arith.constant 90320 : i32
    %jit3A_131 = arith.constant 94416 : i32
    %select_n3A_132 = arith.select %eq3A_129, %jit3A_130, %jit3A_131 : i32
    %eq3A_133 = arith.constant 2 : i32
    %eq3A_134 = arith.cmpi eq, %add3A, %eq3A_133 : i32
    %jit3A_135 = arith.constant 86224 : i32
    %select_n3A_136 = arith.select %eq3A_134, %jit3A_135, %select_n3A_132 : i32
    %eq3A_137 = arith.constant 3 : i32
    %eq3A_138 = arith.cmpi eq, %add3A, %eq3A_137 : i32
    %jit3A_139 = arith.constant 86216 : i32
    %select_n3A_140 = arith.select %eq3A_138, %jit3A_139, %select_n3A_136 : i32
    %eq3A_141 = arith.constant 4 : i32
    %eq3A_142 = arith.cmpi eq, %add3A, %eq3A_141 : i32
    %jit3A_143 = arith.constant 82120 : i32
    %select_n3A_144 = arith.select %eq3A_142, %jit3A_143, %select_n3A_140 : i32
    %eq3A_145 = arith.constant 5 : i32
    %eq3A_146 = arith.cmpi eq, %add3A, %eq3A_145 : i32
    %jit3A_147 = arith.constant 82120 : i32
    %select_n3A_148 = arith.select %eq3A_146, %jit3A_147, %select_n3A_144 : i32
    %eq3A_149 = arith.constant 6 : i32
    %eq3A_150 = arith.cmpi eq, %add3A, %eq3A_149 : i32
    %jit3A_151 = arith.constant 78016 : i32
    %select_n3A_152 = arith.select %eq3A_150, %jit3A_151, %select_n3A_148 : i32
    %eq3A_153 = arith.constant 7 : i32
    %eq3A_154 = arith.cmpi eq, %add3A, %eq3A_153 : i32
    %jit3A_155 = arith.constant 78016 : i32
    %select_n3A_156 = arith.select %eq3A_154, %jit3A_155, %select_n3A_152 : i32
    %eq3A_157 = arith.constant 8 : i32
    %eq3A_158 = arith.cmpi eq, %add3A, %eq3A_157 : i32
    %jit3A_159 = arith.constant 78008 : i32
    %select_n3A_160 = arith.select %eq3A_158, %jit3A_159, %select_n3A_156 : i32
    %eq3A_161 = arith.constant 9 : i32
    %eq3A_162 = arith.cmpi eq, %add3A, %eq3A_161 : i32
    %jit3A_163 = arith.constant 78000 : i32
    %select_n3A_164 = arith.select %eq3A_162, %jit3A_163, %select_n3A_160 : i32
    %eq3A_165 = arith.constant 10 : i32
    %eq3A_166 = arith.cmpi eq, %add3A, %eq3A_165 : i32
    %jit3A_167 = arith.constant 82088 : i32
    %select_n3A_168 = arith.select %eq3A_166, %jit3A_167, %select_n3A_164 : i32
    %eq3A_169 = arith.constant 11 : i32
    %eq3A_170 = arith.cmpi eq, %add3A, %eq3A_169 : i32
    %jit3A_171 = arith.constant 82088 : i32
    %select_n3A_172 = arith.select %eq3A_170, %jit3A_171, %select_n3A_168 : i32
    %eq3A_173 = arith.constant 12 : i32
    %eq3A_174 = arith.cmpi eq, %add3A, %eq3A_173 : i32
    %jit3A_175 = arith.constant 86176 : i32
    %select_n3A_176 = arith.select %eq3A_174, %jit3A_175, %select_n3A_172 : i32
    %eq3A_177 = arith.constant 13 : i32
    %eq3A_178 = arith.cmpi eq, %add3A, %eq3A_177 : i32
    %jit3A_179 = arith.constant 86176 : i32
    %select_n3A_180 = arith.select %eq3A_178, %jit3A_179, %select_n3A_176 : i32
    %eq3A_181 = arith.constant 14 : i32
    %eq3A_182 = arith.cmpi eq, %add3A, %eq3A_181 : i32
    %jit3A_183 = arith.constant 90264 : i32
    %select_n3A_184 = arith.select %eq3A_182, %jit3A_183, %select_n3A_180 : i32
    %eq3A_185 = arith.constant 15 : i32
    %eq3A_186 = arith.cmpi eq, %add3A, %eq3A_185 : i32
    %jit3A_187 = arith.constant 94360 : i32
    %select_n3A_188 = arith.select %eq3A_186, %jit3A_187, %select_n3A_184 : i32
    %eq3A_189 = arith.constant 16 : i32
    %eq3A_190 = arith.cmpi eq, %add3A, %eq3A_189 : i32
    %jit3A_191 = arith.constant 98456 : i32
    %select_n3A_192 = arith.select %eq3A_190, %jit3A_191, %select_n3A_188 : i32
    %eq3A_193 = arith.constant 17 : i32
    %eq3A_194 = arith.cmpi eq, %add3A, %eq3A_193 : i32
    %jit3A_195 = arith.constant 98456 : i32
    %select_n3A_196 = arith.select %eq3A_194, %jit3A_195, %select_n3A_192 : i32
    %eq3A_197 = arith.constant 18 : i32
    %eq3A_198 = arith.cmpi eq, %add3A, %eq3A_197 : i32
    %jit3A_199 = arith.constant 102560 : i32
    %select_n3A_200 = arith.select %eq3A_198, %jit3A_199, %select_n3A_196 : i32
    %eq3A_201 = arith.constant 19 : i32
    %eq3A_202 = arith.cmpi eq, %add3A, %eq3A_201 : i32
    %jit3A_203 = arith.constant 102560 : i32
    %select_n3A_204 = arith.select %eq3A_202, %jit3A_203, %select_n3A_200 : i32
    %eq3A_205 = arith.constant 20 : i32
    %eq3A_206 = arith.cmpi eq, %add3A, %eq3A_205 : i32
    %jit3A_207 = arith.constant 102568 : i32
    %select_n3A_208 = arith.select %eq3A_206, %jit3A_207, %select_n3A_204 : i32
    %eq3A_209 = arith.constant 21 : i32
    %eq3A_210 = arith.cmpi eq, %add3A, %eq3A_209 : i32
    %jit3A_211 = arith.constant 106664 : i32
    %select_n3A_212 = arith.select %eq3A_210, %jit3A_211, %select_n3A_208 : i32
    %eq3A_213 = arith.constant 22 : i32
    %eq3A_214 = arith.cmpi eq, %add3A, %eq3A_213 : i32
    %jit3A_215 = arith.constant 106672 : i32
    %select_n3A_216 = arith.select %eq3A_214, %jit3A_215, %select_n3A_212 : i32
    %eq3A_217 = arith.constant 23 : i32
    %eq3A_218 = arith.cmpi eq, %add3A, %eq3A_217 : i32
    %jit3A_219 = arith.constant 106680 : i32
    %select_n3A_220 = arith.select %eq3A_218, %jit3A_219, %select_n3A_216 : i32
    %eq3A_221 = arith.constant 24 : i32
    %eq3A_222 = arith.cmpi eq, %add3A, %eq3A_221 : i32
    %jit3A_223 = arith.constant 106688 : i32
    %select_n3A_224 = arith.select %eq3A_222, %jit3A_223, %select_n3A_220 : i32
    %eq3A_225 = arith.constant 25 : i32
    %eq3A_226 = arith.cmpi eq, %add3A, %eq3A_225 : i32
    %jit3A_227 = arith.constant 106688 : i32
    %select_n3A_228 = arith.select %eq3A_226, %jit3A_227, %select_n3A_224 : i32
    %eq3A_229 = arith.constant 26 : i32
    %eq3A_230 = arith.cmpi eq, %add3A, %eq3A_229 : i32
    %jit3A_231 = arith.constant 106696 : i32
    %select_n3A_232 = arith.select %eq3A_230, %jit3A_231, %select_n3A_228 : i32
    %eq3A_233 = arith.constant 27 : i32
    %eq3A_234 = arith.cmpi eq, %add3A, %eq3A_233 : i32
    %jit3A_235 = arith.constant 102600 : i32
    %select_n3A_236 = arith.select %eq3A_234, %jit3A_235, %select_n3A_232 : i32
    %eq3A_237 = arith.constant 28 : i32
    %eq3A_238 = arith.cmpi eq, %add3A, %eq3A_237 : i32
    %jit3A_239 = arith.constant 102600 : i32
    %select_n3A_240 = arith.select %eq3A_238, %jit3A_239, %select_n3A_236 : i32
    %eq3A_241 = arith.constant 29 : i32
    %eq3A_242 = arith.cmpi eq, %add3A, %eq3A_241 : i32
    %jit3A_243 = arith.constant 102608 : i32
    %select_n3A_244 = arith.select %eq3A_242, %jit3A_243, %select_n3A_240 : i32
    %eq3A_245 = arith.constant 30 : i32
    %eq3A_246 = arith.cmpi eq, %add3A, %eq3A_245 : i32
    %jit3A_247 = arith.constant 98512 : i32
    %select_n3A_248 = arith.select %eq3A_246, %jit3A_247, %select_n3A_244 : i32
    %eq3A_249 = arith.constant 31 : i32
    %eq3A_250 = arith.cmpi eq, %add3A, %eq3A_249 : i32
    %jit3A_251 = arith.constant 98512 : i32
    %select_n3A_252 = arith.select %eq3A_250, %jit3A_251, %select_n3A_248 : i32
    %shift_right_logical3A_253 = arith.constant 9 : i32
    %shift_right_logical3A_254 = arith.shrui %select_n3A_252, %shift_right_logical3A_253 : i32
    %multiple_of3A_255 = tpu.assume_multiple %shift_right_logical3A_254, 8 : i32
    %and3A_256 = arith.constant 511 : i32
    %and3A_257 = arith.andi %select_n3A_252, %and3A_256 : i32
    %multiple_of3A_258 = tpu.assume_multiple %and3A_257, 8 : i32
    %eq3A_259 = arith.constant 1 : i32
    %eq3A_260 = arith.cmpi eq, %add3A, %eq3A_259 : i32
    %jit3A_261 = arith.constant 86232 : i32
    %jit3A_262 = arith.constant 90336 : i32
    %select_n3A_263 = arith.select %eq3A_260, %jit3A_261, %jit3A_262 : i32
    %eq3A_264 = arith.constant 2 : i32
    %eq3A_265 = arith.cmpi eq, %add3A, %eq3A_264 : i32
    %jit3A_266 = arith.constant 78040 : i32
    %select_n3A_267 = arith.select %eq3A_265, %jit3A_266, %select_n3A_263 : i32
    %eq3A_268 = arith.constant 3 : i32
    %eq3A_269 = arith.cmpi eq, %add3A, %eq3A_268 : i32
    %jit3A_270 = arith.constant 73944 : i32
    %select_n3A_271 = arith.select %eq3A_269, %jit3A_270, %select_n3A_267 : i32
    %eq3A_272 = arith.constant 4 : i32
    %eq3A_273 = arith.cmpi eq, %add3A, %eq3A_272 : i32
    %jit3A_274 = arith.constant 69840 : i32
    %select_n3A_275 = arith.select %eq3A_273, %jit3A_274, %select_n3A_271 : i32
    %eq3A_276 = arith.constant 5 : i32
    %eq3A_277 = arith.cmpi eq, %add3A, %eq3A_276 : i32
    %jit3A_278 = arith.constant 65736 : i32
    %select_n3A_279 = arith.select %eq3A_277, %jit3A_278, %select_n3A_275 : i32
    %eq3A_280 = arith.constant 6 : i32
    %eq3A_281 = arith.cmpi eq, %add3A, %eq3A_280 : i32
    %jit3A_282 = arith.constant 65728 : i32
    %select_n3A_283 = arith.select %eq3A_281, %jit3A_282, %select_n3A_279 : i32
    %eq3A_284 = arith.constant 7 : i32
    %eq3A_285 = arith.cmpi eq, %add3A, %eq3A_284 : i32
    %jit3A_286 = arith.constant 61632 : i32
    %select_n3A_287 = arith.select %eq3A_285, %jit3A_286, %select_n3A_283 : i32
    %eq3A_288 = arith.constant 8 : i32
    %eq3A_289 = arith.cmpi eq, %add3A, %eq3A_288 : i32
    %jit3A_290 = arith.constant 61616 : i32
    %select_n3A_291 = arith.select %eq3A_289, %jit3A_290, %select_n3A_287 : i32
    %eq3A_292 = arith.constant 9 : i32
    %eq3A_293 = arith.cmpi eq, %add3A, %eq3A_292 : i32
    %jit3A_294 = arith.constant 65704 : i32
    %select_n3A_295 = arith.select %eq3A_293, %jit3A_294, %select_n3A_291 : i32
    %eq3A_296 = arith.constant 10 : i32
    %eq3A_297 = arith.cmpi eq, %add3A, %eq3A_296 : i32
    %jit3A_298 = arith.constant 65688 : i32
    %select_n3A_299 = arith.select %eq3A_297, %jit3A_298, %select_n3A_295 : i32
    %eq3A_300 = arith.constant 11 : i32
    %eq3A_301 = arith.cmpi eq, %add3A, %eq3A_300 : i32
    %jit3A_302 = arith.constant 69776 : i32
    %select_n3A_303 = arith.select %eq3A_301, %jit3A_302, %select_n3A_299 : i32
    %eq3A_304 = arith.constant 12 : i32
    %eq3A_305 = arith.cmpi eq, %add3A, %eq3A_304 : i32
    %jit3A_306 = arith.constant 73864 : i32
    %select_n3A_307 = arith.select %eq3A_305, %jit3A_306, %select_n3A_303 : i32
    %eq3A_308 = arith.constant 13 : i32
    %eq3A_309 = arith.cmpi eq, %add3A, %eq3A_308 : i32
    %jit3A_310 = arith.constant 77952 : i32
    %select_n3A_311 = arith.select %eq3A_309, %jit3A_310, %select_n3A_307 : i32
    %eq3A_312 = arith.constant 14 : i32
    %eq3A_313 = arith.cmpi eq, %add3A, %eq3A_312 : i32
    %jit3A_314 = arith.constant 82048 : i32
    %select_n3A_315 = arith.select %eq3A_313, %jit3A_314, %select_n3A_311 : i32
    %eq3A_316 = arith.constant 15 : i32
    %eq3A_317 = arith.cmpi eq, %add3A, %eq3A_316 : i32
    %jit3A_318 = arith.constant 90232 : i32
    %select_n3A_319 = arith.select %eq3A_317, %jit3A_318, %select_n3A_315 : i32
    %eq3A_320 = arith.constant 16 : i32
    %eq3A_321 = arith.cmpi eq, %add3A, %eq3A_320 : i32
    %jit3A_322 = arith.constant 98424 : i32
    %select_n3A_323 = arith.select %eq3A_321, %jit3A_322, %select_n3A_319 : i32
    %eq3A_324 = arith.constant 17 : i32
    %eq3A_325 = arith.cmpi eq, %add3A, %eq3A_324 : i32
    %jit3A_326 = arith.constant 98432 : i32
    %select_n3A_327 = arith.select %eq3A_325, %jit3A_326, %select_n3A_323 : i32
    %eq3A_328 = arith.constant 18 : i32
    %eq3A_329 = arith.cmpi eq, %add3A, %eq3A_328 : i32
    %jit3A_330 = arith.constant 102528 : i32
    %select_n3A_331 = arith.select %eq3A_329, %jit3A_330, %select_n3A_327 : i32
    %eq3A_332 = arith.constant 19 : i32
    %eq3A_333 = arith.cmpi eq, %add3A, %eq3A_332 : i32
    %jit3A_334 = arith.constant 106632 : i32
    %select_n3A_335 = arith.select %eq3A_333, %jit3A_334, %select_n3A_331 : i32
    %eq3A_336 = arith.constant 20 : i32
    %eq3A_337 = arith.cmpi eq, %add3A, %eq3A_336 : i32
    %jit3A_338 = arith.constant 106640 : i32
    %select_n3A_339 = arith.select %eq3A_337, %jit3A_338, %select_n3A_335 : i32
    %eq3A_340 = arith.constant 21 : i32
    %eq3A_341 = arith.cmpi eq, %add3A, %eq3A_340 : i32
    %jit3A_342 = arith.constant 110744 : i32
    %select_n3A_343 = arith.select %eq3A_341, %jit3A_342, %select_n3A_339 : i32
    %eq3A_344 = arith.constant 22 : i32
    %eq3A_345 = arith.cmpi eq, %add3A, %eq3A_344 : i32
    %jit3A_346 = arith.constant 110752 : i32
    %select_n3A_347 = arith.select %eq3A_345, %jit3A_346, %select_n3A_343 : i32
    %eq3A_348 = arith.constant 23 : i32
    %eq3A_349 = arith.cmpi eq, %add3A, %eq3A_348 : i32
    %jit3A_350 = arith.constant 114864 : i32
    %select_n3A_351 = arith.select %eq3A_349, %jit3A_350, %select_n3A_347 : i32
    %eq3A_352 = arith.constant 24 : i32
    %eq3A_353 = arith.cmpi eq, %add3A, %eq3A_352 : i32
    %jit3A_354 = arith.constant 114880 : i32
    %select_n3A_355 = arith.select %eq3A_353, %jit3A_354, %select_n3A_351 : i32
    %eq3A_356 = arith.constant 25 : i32
    %eq3A_357 = arith.cmpi eq, %add3A, %eq3A_356 : i32
    %jit3A_358 = arith.constant 110784 : i32
    %select_n3A_359 = arith.select %eq3A_357, %jit3A_358, %select_n3A_355 : i32
    %eq3A_360 = arith.constant 26 : i32
    %eq3A_361 = arith.cmpi eq, %add3A, %eq3A_360 : i32
    %jit3A_362 = arith.constant 110792 : i32
    %select_n3A_363 = arith.select %eq3A_361, %jit3A_362, %select_n3A_359 : i32
    %eq3A_364 = arith.constant 27 : i32
    %eq3A_365 = arith.cmpi eq, %add3A, %eq3A_364 : i32
    %jit3A_366 = arith.constant 110800 : i32
    %select_n3A_367 = arith.select %eq3A_365, %jit3A_366, %select_n3A_363 : i32
    %eq3A_368 = arith.constant 28 : i32
    %eq3A_369 = arith.cmpi eq, %add3A, %eq3A_368 : i32
    %jit3A_370 = arith.constant 106704 : i32
    %select_n3A_371 = arith.select %eq3A_369, %jit3A_370, %select_n3A_367 : i32
    %eq3A_372 = arith.constant 29 : i32
    %eq3A_373 = arith.cmpi eq, %add3A, %eq3A_372 : i32
    %jit3A_374 = arith.constant 102616 : i32
    %select_n3A_375 = arith.select %eq3A_373, %jit3A_374, %select_n3A_371 : i32
    %eq3A_376 = arith.constant 30 : i32
    %eq3A_377 = arith.cmpi eq, %add3A, %eq3A_376 : i32
    %jit3A_378 = arith.constant 98520 : i32
    %select_n3A_379 = arith.select %eq3A_377, %jit3A_378, %select_n3A_375 : i32
    %eq3A_380 = arith.constant 31 : i32
    %eq3A_381 = arith.cmpi eq, %add3A, %eq3A_380 : i32
    %jit3A_382 = arith.constant 98528 : i32
    %select_n3A_383 = arith.select %eq3A_381, %jit3A_382, %select_n3A_379 : i32
    %shift_right_logical3A_384 = arith.constant 9 : i32
    %shift_right_logical3A_385 = arith.shrui %select_n3A_383, %shift_right_logical3A_384 : i32
    %multiple_of3A_386 = tpu.assume_multiple %shift_right_logical3A_385, 8 : i32
    %and3A_387 = arith.constant 511 : i32
    %and3A_388 = arith.andi %select_n3A_383, %and3A_387 : i32
    %multiple_of3A_389 = tpu.assume_multiple %and3A_388, 8 : i32
    %eq3A_390 = arith.constant 1 : i32
    %eq3A_391 = arith.cmpi eq, %add3A, %eq3A_390 : i32
    %jit3A_392 = arith.constant 78072 : i32
    %jit3A_393 = arith.constant 86272 : i32
    %select_n3A_394 = arith.select %eq3A_391, %jit3A_392, %jit3A_393 : i32
    %eq3A_395 = arith.constant 2 : i32
    %eq3A_396 = arith.cmpi eq, %add3A, %eq3A_395 : i32
    %jit3A_397 = arith.constant 69872 : i32
    %select_n3A_398 = arith.select %eq3A_396, %jit3A_397, %select_n3A_394 : i32
    %eq3A_399 = arith.constant 3 : i32
    %eq3A_400 = arith.cmpi eq, %add3A, %eq3A_399 : i32
    %jit3A_401 = arith.constant 61672 : i32
    %select_n3A_402 = arith.select %eq3A_400, %jit3A_401, %select_n3A_398 : i32
    %eq3A_403 = arith.constant 4 : i32
    %eq3A_404 = arith.cmpi eq, %add3A, %eq3A_403 : i32
    %jit3A_405 = arith.constant 53472 : i32
    %select_n3A_406 = arith.select %eq3A_404, %jit3A_405, %select_n3A_402 : i32
    %eq3A_407 = arith.constant 5 : i32
    %eq3A_408 = arith.cmpi eq, %add3A, %eq3A_407 : i32
    %jit3A_409 = arith.constant 49368 : i32
    %select_n3A_410 = arith.select %eq3A_408, %jit3A_409, %select_n3A_406 : i32
    %eq3A_411 = arith.constant 6 : i32
    %eq3A_412 = arith.cmpi eq, %add3A, %eq3A_411 : i32
    %jit3A_413 = arith.constant 45256 : i32
    %select_n3A_414 = arith.select %eq3A_412, %jit3A_413, %select_n3A_410 : i32
    %eq3A_415 = arith.constant 7 : i32
    %eq3A_416 = arith.cmpi eq, %add3A, %eq3A_415 : i32
    %jit3A_417 = arith.constant 45248 : i32
    %select_n3A_418 = arith.select %eq3A_416, %jit3A_417, %select_n3A_414 : i32
    %eq3A_419 = arith.constant 8 : i32
    %eq3A_420 = arith.cmpi eq, %add3A, %eq3A_419 : i32
    %jit3A_421 = arith.constant 45224 : i32
    %select_n3A_422 = arith.select %eq3A_420, %jit3A_421, %select_n3A_418 : i32
    %eq3A_423 = arith.constant 9 : i32
    %eq3A_424 = arith.cmpi eq, %add3A, %eq3A_423 : i32
    %jit3A_425 = arith.constant 45208 : i32
    %select_n3A_426 = arith.select %eq3A_424, %jit3A_425, %select_n3A_422 : i32
    %eq3A_427 = arith.constant 10 : i32
    %eq3A_428 = arith.cmpi eq, %add3A, %eq3A_427 : i32
    %jit3A_429 = arith.constant 49288 : i32
    %select_n3A_430 = arith.select %eq3A_428, %jit3A_429, %select_n3A_426 : i32
    %eq3A_431 = arith.constant 11 : i32
    %eq3A_432 = arith.cmpi eq, %add3A, %eq3A_431 : i32
    %jit3A_433 = arith.constant 53368 : i32
    %select_n3A_434 = arith.select %eq3A_432, %jit3A_433, %select_n3A_430 : i32
    %eq3A_435 = arith.constant 12 : i32
    %eq3A_436 = arith.cmpi eq, %add3A, %eq3A_435 : i32
    %jit3A_437 = arith.constant 61544 : i32
    %select_n3A_438 = arith.select %eq3A_436, %jit3A_437, %select_n3A_434 : i32
    %eq3A_439 = arith.constant 13 : i32
    %eq3A_440 = arith.cmpi eq, %add3A, %eq3A_439 : i32
    %jit3A_441 = arith.constant 69728 : i32
    %select_n3A_442 = arith.select %eq3A_440, %jit3A_441, %select_n3A_438 : i32
    %eq3A_443 = arith.constant 14 : i32
    %eq3A_444 = arith.cmpi eq, %add3A, %eq3A_443 : i32
    %jit3A_445 = arith.constant 77912 : i32
    %select_n3A_446 = arith.select %eq3A_444, %jit3A_445, %select_n3A_442 : i32
    %eq3A_447 = arith.constant 15 : i32
    %eq3A_448 = arith.cmpi eq, %add3A, %eq3A_447 : i32
    %jit3A_449 = arith.constant 86104 : i32
    %select_n3A_450 = arith.select %eq3A_448, %jit3A_449, %select_n3A_446 : i32
    %eq3A_451 = arith.constant 16 : i32
    %eq3A_452 = arith.cmpi eq, %add3A, %eq3A_451 : i32
    %jit3A_453 = arith.constant 98392 : i32
    %select_n3A_454 = arith.select %eq3A_452, %jit3A_453, %select_n3A_450 : i32
    %eq3A_455 = arith.constant 17 : i32
    %eq3A_456 = arith.cmpi eq, %add3A, %eq3A_455 : i32
    %jit3A_457 = arith.constant 102488 : i32
    %select_n3A_458 = arith.select %eq3A_456, %jit3A_457, %select_n3A_454 : i32
    %eq3A_459 = arith.constant 18 : i32
    %eq3A_460 = arith.cmpi eq, %add3A, %eq3A_459 : i32
    %jit3A_461 = arith.constant 110688 : i32
    %select_n3A_462 = arith.select %eq3A_460, %jit3A_461, %select_n3A_458 : i32
    %eq3A_463 = arith.constant 19 : i32
    %eq3A_464 = arith.cmpi eq, %add3A, %eq3A_463 : i32
    %jit3A_465 = arith.constant 114792 : i32
    %select_n3A_466 = arith.select %eq3A_464, %jit3A_465, %select_n3A_462 : i32
    %eq3A_467 = arith.constant 20 : i32
    %eq3A_468 = arith.cmpi eq, %add3A, %eq3A_467 : i32
    %jit3A_469 = arith.constant 118904 : i32
    %select_n3A_470 = arith.select %eq3A_468, %jit3A_469, %select_n3A_466 : i32
    %eq3A_471 = arith.constant 21 : i32
    %eq3A_472 = arith.cmpi eq, %add3A, %eq3A_471 : i32
    %jit3A_473 = arith.constant 123016 : i32
    %select_n3A_474 = arith.select %eq3A_472, %jit3A_473, %select_n3A_470 : i32
    %eq3A_475 = arith.constant 22 : i32
    %eq3A_476 = arith.cmpi eq, %add3A, %eq3A_475 : i32
    %jit3A_477 = arith.constant 127128 : i32
    %select_n3A_478 = arith.select %eq3A_476, %jit3A_477, %select_n3A_474 : i32
    %eq3A_479 = arith.constant 23 : i32
    %eq3A_480 = arith.cmpi eq, %add3A, %eq3A_479 : i32
    %jit3A_481 = arith.constant 127144 : i32
    %select_n3A_482 = arith.select %eq3A_480, %jit3A_481, %select_n3A_478 : i32
    %eq3A_483 = arith.constant 24 : i32
    %eq3A_484 = arith.cmpi eq, %add3A, %eq3A_483 : i32
    %jit3A_485 = arith.constant 131264 : i32
    %select_n3A_486 = arith.select %eq3A_484, %jit3A_485, %select_n3A_482 : i32
    %eq3A_487 = arith.constant 25 : i32
    %eq3A_488 = arith.cmpi eq, %add3A, %eq3A_487 : i32
    %jit3A_489 = arith.constant 127176 : i32
    %select_n3A_490 = arith.select %eq3A_488, %jit3A_489, %select_n3A_486 : i32
    %eq3A_491 = arith.constant 26 : i32
    %eq3A_492 = arith.cmpi eq, %add3A, %eq3A_491 : i32
    %jit3A_493 = arith.constant 123096 : i32
    %select_n3A_494 = arith.select %eq3A_492, %jit3A_493, %select_n3A_490 : i32
    %eq3A_495 = arith.constant 27 : i32
    %eq3A_496 = arith.cmpi eq, %add3A, %eq3A_495 : i32
    %jit3A_497 = arith.constant 119008 : i32
    %select_n3A_498 = arith.select %eq3A_496, %jit3A_497, %select_n3A_494 : i32
    %eq3A_499 = arith.constant 28 : i32
    %eq3A_500 = arith.cmpi eq, %add3A, %eq3A_499 : i32
    %jit3A_501 = arith.constant 114920 : i32
    %select_n3A_502 = arith.select %eq3A_500, %jit3A_501, %select_n3A_498 : i32
    %eq3A_503 = arith.constant 29 : i32
    %eq3A_504 = arith.cmpi eq, %add3A, %eq3A_503 : i32
    %jit3A_505 = arith.constant 110832 : i32
    %select_n3A_506 = arith.select %eq3A_504, %jit3A_505, %select_n3A_502 : i32
    %eq3A_507 = arith.constant 30 : i32
    %eq3A_508 = arith.cmpi eq, %add3A, %eq3A_507 : i32
    %jit3A_509 = arith.constant 102648 : i32
    %select_n3A_510 = arith.select %eq3A_508, %jit3A_509, %select_n3A_506 : i32
    %eq3A_511 = arith.constant 31 : i32
    %eq3A_512 = arith.cmpi eq, %add3A, %eq3A_511 : i32
    %jit3A_513 = arith.constant 98552 : i32
    %select_n3A_514 = arith.select %eq3A_512, %jit3A_513, %select_n3A_510 : i32
    %shift_right_logical3A_515 = arith.constant 9 : i32
    %shift_right_logical3A_516 = arith.shrui %select_n3A_514, %shift_right_logical3A_515 : i32
    %multiple_of3A_517 = tpu.assume_multiple %shift_right_logical3A_516, 8 : i32
    %and3A_518 = arith.constant 511 : i32
    %and3A_519 = arith.andi %select_n3A_514, %and3A_518 : i32
    %multiple_of3A_520 = tpu.assume_multiple %and3A_519, 8 : i32
    %eq3A_521 = arith.constant 1 : i32
    %eq3A_522 = arith.cmpi eq, %add3A, %eq3A_521 : i32
    %jit3A_523 = arith.constant 65816 : i32
    %jit3A_524 = arith.constant 82208 : i32
    %select_n3A_525 = arith.select %eq3A_522, %jit3A_523, %jit3A_524 : i32
    %eq3A_526 = arith.constant 2 : i32
    %eq3A_527 = arith.cmpi eq, %add3A, %eq3A_526 : i32
    %jit3A_528 = arith.constant 53520 : i32
    %select_n3A_529 = arith.select %eq3A_527, %jit3A_528, %select_n3A_525 : i32
    %eq3A_530 = arith.constant 3 : i32
    %eq3A_531 = arith.cmpi eq, %add3A, %eq3A_530 : i32
    %jit3A_532 = arith.constant 41224 : i32
    %select_n3A_533 = arith.select %eq3A_531, %jit3A_532, %select_n3A_529 : i32
    %eq3A_534 = arith.constant 4 : i32
    %eq3A_535 = arith.cmpi eq, %add3A, %eq3A_534 : i32
    %jit3A_536 = arith.constant 33016 : i32
    %select_n3A_537 = arith.select %eq3A_535, %jit3A_536, %select_n3A_533 : i32
    %eq3A_538 = arith.constant 5 : i32
    %eq3A_539 = arith.cmpi eq, %add3A, %eq3A_538 : i32
    %jit3A_540 = arith.constant 24808 : i32
    %select_n3A_541 = arith.select %eq3A_539, %jit3A_540, %select_n3A_537 : i32
    %eq3A_542 = arith.constant 6 : i32
    %eq3A_543 = arith.cmpi eq, %add3A, %eq3A_542 : i32
    %jit3A_544 = arith.constant 20688 : i32
    %select_n3A_545 = arith.select %eq3A_543, %jit3A_544, %select_n3A_541 : i32
    %eq3A_546 = arith.constant 7 : i32
    %eq3A_547 = arith.cmpi eq, %add3A, %eq3A_546 : i32
    %jit3A_548 = arith.constant 16576 : i32
    %select_n3A_549 = arith.select %eq3A_547, %jit3A_548, %select_n3A_545 : i32
    %eq3A_550 = arith.constant 8 : i32
    %eq3A_551 = arith.cmpi eq, %add3A, %eq3A_550 : i32
    %jit3A_552 = arith.constant 16544 : i32
    %select_n3A_553 = arith.select %eq3A_551, %jit3A_552, %select_n3A_549 : i32
    %eq3A_554 = arith.constant 9 : i32
    %eq3A_555 = arith.cmpi eq, %add3A, %eq3A_554 : i32
    %jit3A_556 = arith.constant 20608 : i32
    %select_n3A_557 = arith.select %eq3A_555, %jit3A_556, %select_n3A_553 : i32
    %eq3A_558 = arith.constant 10 : i32
    %eq3A_559 = arith.cmpi eq, %add3A, %eq3A_558 : i32
    %jit3A_560 = arith.constant 24680 : i32
    %select_n3A_561 = arith.select %eq3A_559, %jit3A_560, %select_n3A_557 : i32
    %eq3A_562 = arith.constant 11 : i32
    %eq3A_563 = arith.cmpi eq, %add3A, %eq3A_562 : i32
    %jit3A_564 = arith.constant 28752 : i32
    %select_n3A_565 = arith.select %eq3A_563, %jit3A_564, %select_n3A_561 : i32
    %eq3A_566 = arith.constant 12 : i32
    %eq3A_567 = arith.cmpi eq, %add3A, %eq3A_566 : i32
    %jit3A_568 = arith.constant 41024 : i32
    %select_n3A_569 = arith.select %eq3A_567, %jit3A_568, %select_n3A_565 : i32
    %eq3A_570 = arith.constant 13 : i32
    %eq3A_571 = arith.cmpi eq, %add3A, %eq3A_570 : i32
    %jit3A_572 = arith.constant 53296 : i32
    %select_n3A_573 = arith.select %eq3A_571, %jit3A_572, %select_n3A_569 : i32
    %eq3A_574 = arith.constant 14 : i32
    %eq3A_575 = arith.cmpi eq, %add3A, %eq3A_574 : i32
    %jit3A_576 = arith.constant 65576 : i32
    %select_n3A_577 = arith.select %eq3A_575, %jit3A_576, %select_n3A_573 : i32
    %eq3A_578 = arith.constant 15 : i32
    %eq3A_579 = arith.cmpi eq, %add3A, %eq3A_578 : i32
    %jit3A_580 = arith.constant 81952 : i32
    %select_n3A_581 = arith.select %eq3A_579, %jit3A_580, %select_n3A_577 : i32
    %eq3A_582 = arith.constant 16 : i32
    %eq3A_583 = arith.cmpi eq, %add3A, %eq3A_582 : i32
    %jit3A_584 = arith.constant 98336 : i32
    %select_n3A_585 = arith.select %eq3A_583, %jit3A_584, %select_n3A_581 : i32
    %eq3A_586 = arith.constant 17 : i32
    %eq3A_587 = arith.cmpi eq, %add3A, %eq3A_586 : i32
    %jit3A_588 = arith.constant 106536 : i32
    %select_n3A_589 = arith.select %eq3A_587, %jit3A_588, %select_n3A_585 : i32
    %eq3A_590 = arith.constant 18 : i32
    %eq3A_591 = arith.cmpi eq, %add3A, %eq3A_590 : i32
    %jit3A_592 = arith.constant 114736 : i32
    %select_n3A_593 = arith.select %eq3A_591, %jit3A_592, %select_n3A_589 : i32
    %eq3A_594 = arith.constant 19 : i32
    %eq3A_595 = arith.cmpi eq, %add3A, %eq3A_594 : i32
    %jit3A_596 = arith.constant 127032 : i32
    %select_n3A_597 = arith.select %eq3A_595, %jit3A_596, %select_n3A_593 : i32
    %eq3A_598 = arith.constant 20 : i32
    %eq3A_599 = arith.cmpi eq, %add3A, %eq3A_598 : i32
    %jit3A_600 = arith.constant 131152 : i32
    %select_n3A_601 = arith.select %eq3A_599, %jit3A_600, %select_n3A_597 : i32
    %eq3A_602 = arith.constant 21 : i32
    %eq3A_603 = arith.cmpi eq, %add3A, %eq3A_602 : i32
    %jit3A_604 = arith.constant 139368 : i32
    %select_n3A_605 = arith.select %eq3A_603, %jit3A_604, %select_n3A_601 : i32
    %eq3A_606 = arith.constant 22 : i32
    %eq3A_607 = arith.cmpi eq, %add3A, %eq3A_606 : i32
    %jit3A_608 = arith.constant 143488 : i32
    %select_n3A_609 = arith.select %eq3A_607, %jit3A_608, %select_n3A_605 : i32
    %eq3A_610 = arith.constant 23 : i32
    %eq3A_611 = arith.cmpi eq, %add3A, %eq3A_610 : i32
    %jit3A_612 = arith.constant 147616 : i32
    %select_n3A_613 = arith.select %eq3A_611, %jit3A_612, %select_n3A_609 : i32
    %eq3A_614 = arith.constant 24 : i32
    %eq3A_615 = arith.cmpi eq, %add3A, %eq3A_614 : i32
    %jit3A_616 = arith.constant 147648 : i32
    %select_n3A_617 = arith.select %eq3A_615, %jit3A_616, %select_n3A_613 : i32
    %eq3A_618 = arith.constant 25 : i32
    %eq3A_619 = arith.cmpi eq, %add3A, %eq3A_618 : i32
    %jit3A_620 = arith.constant 143568 : i32
    %select_n3A_621 = arith.select %eq3A_619, %jit3A_620, %select_n3A_617 : i32
    %eq3A_622 = arith.constant 26 : i32
    %eq3A_623 = arith.cmpi eq, %add3A, %eq3A_622 : i32
    %jit3A_624 = arith.constant 139488 : i32
    %select_n3A_625 = arith.select %eq3A_623, %jit3A_624, %select_n3A_621 : i32
    %eq3A_626 = arith.constant 27 : i32
    %eq3A_627 = arith.cmpi eq, %add3A, %eq3A_626 : i32
    %jit3A_628 = arith.constant 135416 : i32
    %select_n3A_629 = arith.select %eq3A_627, %jit3A_628, %select_n3A_625 : i32
    %eq3A_630 = arith.constant 28 : i32
    %eq3A_631 = arith.cmpi eq, %add3A, %eq3A_630 : i32
    %jit3A_632 = arith.constant 127232 : i32
    %select_n3A_633 = arith.select %eq3A_631, %jit3A_632, %select_n3A_629 : i32
    %eq3A_634 = arith.constant 29 : i32
    %eq3A_635 = arith.cmpi eq, %add3A, %eq3A_634 : i32
    %jit3A_636 = arith.constant 119056 : i32
    %select_n3A_637 = arith.select %eq3A_635, %jit3A_636, %select_n3A_633 : i32
    %eq3A_638 = arith.constant 30 : i32
    %eq3A_639 = arith.cmpi eq, %add3A, %eq3A_638 : i32
    %jit3A_640 = arith.constant 106776 : i32
    %select_n3A_641 = arith.select %eq3A_639, %jit3A_640, %select_n3A_637 : i32
    %eq3A_642 = arith.constant 31 : i32
    %eq3A_643 = arith.cmpi eq, %add3A, %eq3A_642 : i32
    %jit3A_644 = arith.constant 98592 : i32
    %select_n3A_645 = arith.select %eq3A_643, %jit3A_644, %select_n3A_641 : i32
    %shift_right_logical3A_646 = arith.constant 9 : i32
    %shift_right_logical3A_647 = arith.shrui %select_n3A_645, %shift_right_logical3A_646 : i32
    %multiple_of3A_648 = tpu.assume_multiple %shift_right_logical3A_647, 8 : i32
    %and3A_649 = arith.constant 511 : i32
    %and3A_650 = arith.andi %select_n3A_645, %and3A_649 : i32
    %multiple_of3A_651 = tpu.assume_multiple %and3A_650, 8 : i32
    %eq3A_652 = arith.constant 1 : i32
    %eq3A_653 = arith.cmpi eq, %add3A, %eq3A_652 : i32
    %jit3A_654 = arith.constant 61768 : i32
    %jit3A_655 = arith.constant 78152 : i32
    %select_n3A_656 = arith.select %eq3A_653, %jit3A_654, %jit3A_655 : i32
    %eq3A_657 = arith.constant 2 : i32
    %eq3A_658 = arith.cmpi eq, %add3A, %eq3A_657 : i32
    %jit3A_659 = arith.constant 41280 : i32
    %select_n3A_660 = arith.select %eq3A_658, %jit3A_659, %select_n3A_656 : i32
    %eq3A_661 = arith.constant 3 : i32
    %eq3A_662 = arith.cmpi eq, %add3A, %eq3A_661 : i32
    %jit3A_663 = arith.constant 28976 : i32
    %select_n3A_664 = arith.select %eq3A_662, %jit3A_663, %select_n3A_660 : i32
    %eq3A_665 = arith.constant 4 : i32
    %eq3A_666 = arith.cmpi eq, %add3A, %eq3A_665 : i32
    %jit3A_667 = arith.constant 16664 : i32
    %select_n3A_668 = arith.select %eq3A_666, %jit3A_667, %select_n3A_664 : i32
    %eq3A_669 = arith.constant 5 : i32
    %eq3A_670 = arith.cmpi eq, %add3A, %eq3A_669 : i32
    %jit3A_671 = arith.constant 4344 : i32
    %select_n3A_672 = arith.select %eq3A_670, %jit3A_671, %select_n3A_668 : i32
    %eq3A_673 = arith.constant 6 : i32
    %eq3A_674 = arith.cmpi eq, %add3A, %eq3A_673 : i32
    %jit3A_675 = arith.constant 224 : i32
    %select_n3A_676 = arith.select %eq3A_674, %jit3A_675, %select_n3A_672 : i32
    %eq3A_677 = arith.constant 7 : i32
    %eq3A_678 = arith.cmpi eq, %add3A, %eq3A_677 : i32
    %jit3A_679 = arith.constant 192 : i32
    %select_n3A_680 = arith.select %eq3A_678, %jit3A_679, %select_n3A_676 : i32
    %eq3A_681 = arith.constant 8 : i32
    %eq3A_682 = arith.cmpi eq, %add3A, %eq3A_681 : i32
    %jit3A_683 = arith.constant 152 : i32
    %select_n3A_684 = arith.select %eq3A_682, %jit3A_683, %select_n3A_680 : i32
    %eq3A_685 = arith.constant 9 : i32
    %eq3A_686 = arith.cmpi eq, %add3A, %eq3A_685 : i32
    %jit3A_687 = arith.constant 120 : i32
    %select_n3A_688 = arith.select %eq3A_686, %jit3A_687, %select_n3A_684 : i32
    %eq3A_689 = arith.constant 10 : i32
    %eq3A_690 = arith.cmpi eq, %add3A, %eq3A_689 : i32
    %jit3A_691 = arith.constant 4176 : i32
    %select_n3A_692 = arith.select %eq3A_690, %jit3A_691, %select_n3A_688 : i32
    %eq3A_693 = arith.constant 11 : i32
    %eq3A_694 = arith.cmpi eq, %add3A, %eq3A_693 : i32
    %jit3A_695 = arith.constant 12344 : i32
    %select_n3A_696 = arith.select %eq3A_694, %jit3A_695, %select_n3A_692 : i32
    %eq3A_697 = arith.constant 12 : i32
    %eq3A_698 = arith.cmpi eq, %add3A, %eq3A_697 : i32
    %jit3A_699 = arith.constant 24608 : i32
    %select_n3A_700 = arith.select %eq3A_698, %jit3A_699, %select_n3A_696 : i32
    %eq3A_701 = arith.constant 13 : i32
    %eq3A_702 = arith.cmpi eq, %add3A, %eq3A_701 : i32
    %jit3A_703 = arith.constant 40968 : i32
    %select_n3A_704 = arith.select %eq3A_702, %jit3A_703, %select_n3A_700 : i32
    %eq3A_705 = arith.constant 14 : i32
    %eq3A_706 = arith.cmpi eq, %add3A, %eq3A_705 : i32
    %jit3A_707 = arith.constant 57344 : i32
    %select_n3A_708 = arith.select %eq3A_706, %jit3A_707, %select_n3A_704 : i32
    %eq3A_709 = arith.constant 15 : i32
    %eq3A_710 = arith.cmpi eq, %add3A, %eq3A_709 : i32
    %jit3A_711 = arith.constant 77824 : i32
    %select_n3A_712 = arith.select %eq3A_710, %jit3A_711, %select_n3A_708 : i32
    %eq3A_713 = arith.constant 16 : i32
    %eq3A_714 = arith.cmpi eq, %add3A, %eq3A_713 : i32
    %jit3A_715 = arith.constant 98304 : i32
    %select_n3A_716 = arith.select %eq3A_714, %jit3A_715, %select_n3A_712 : i32
    %eq3A_717 = arith.constant 17 : i32
    %eq3A_718 = arith.cmpi eq, %add3A, %eq3A_717 : i32
    %jit3A_719 = arith.constant 110592 : i32
    %select_n3A_720 = arith.select %eq3A_718, %jit3A_719, %select_n3A_716 : i32
    %eq3A_721 = arith.constant 18 : i32
    %eq3A_722 = arith.cmpi eq, %add3A, %eq3A_721 : i32
    %jit3A_723 = arith.constant 126984 : i32
    %select_n3A_724 = arith.select %eq3A_722, %jit3A_723, %select_n3A_720 : i32
    %eq3A_725 = arith.constant 19 : i32
    %eq3A_726 = arith.cmpi eq, %add3A, %eq3A_725 : i32
    %jit3A_727 = arith.constant 139288 : i32
    %select_n3A_728 = arith.select %eq3A_726, %jit3A_727, %select_n3A_724 : i32
    %eq3A_729 = arith.constant 20 : i32
    %eq3A_730 = arith.cmpi eq, %add3A, %eq3A_729 : i32
    %jit3A_731 = arith.constant 151600 : i32
    %select_n3A_732 = arith.select %eq3A_730, %jit3A_731, %select_n3A_728 : i32
    %eq3A_733 = arith.constant 21 : i32
    %eq3A_734 = arith.cmpi eq, %add3A, %eq3A_733 : i32
    %jit3A_735 = arith.constant 163920 : i32
    %select_n3A_736 = arith.select %eq3A_734, %jit3A_735, %select_n3A_732 : i32
    %eq3A_737 = arith.constant 22 : i32
    %eq3A_738 = arith.cmpi eq, %add3A, %eq3A_737 : i32
    %jit3A_739 = arith.constant 168048 : i32
    %select_n3A_740 = arith.select %eq3A_738, %jit3A_739, %select_n3A_736 : i32
    %eq3A_741 = arith.constant 23 : i32
    %eq3A_742 = arith.cmpi eq, %add3A, %eq3A_741 : i32
    %jit3A_743 = arith.constant 168088 : i32
    %select_n3A_744 = arith.select %eq3A_742, %jit3A_743, %select_n3A_740 : i32
    %eq3A_745 = arith.constant 24 : i32
    %eq3A_746 = arith.cmpi eq, %add3A, %eq3A_745 : i32
    %jit3A_747 = arith.constant 168128 : i32
    %select_n3A_748 = arith.select %eq3A_746, %jit3A_747, %select_n3A_744 : i32
    %eq3A_749 = arith.constant 25 : i32
    %eq3A_750 = arith.cmpi eq, %add3A, %eq3A_749 : i32
    %jit3A_751 = arith.constant 168152 : i32
    %select_n3A_752 = arith.select %eq3A_750, %jit3A_751, %select_n3A_748 : i32
    %eq3A_753 = arith.constant 26 : i32
    %eq3A_754 = arith.cmpi eq, %add3A, %eq3A_753 : i32
    %jit3A_755 = arith.constant 164088 : i32
    %select_n3A_756 = arith.select %eq3A_754, %jit3A_755, %select_n3A_752 : i32
    %eq3A_757 = arith.constant 27 : i32
    %eq3A_758 = arith.cmpi eq, %add3A, %eq3A_757 : i32
    %jit3A_759 = arith.constant 155920 : i32
    %select_n3A_760 = arith.select %eq3A_758, %jit3A_759, %select_n3A_756 : i32
    %eq3A_761 = arith.constant 28 : i32
    %eq3A_762 = arith.cmpi eq, %add3A, %eq3A_761 : i32
    %jit3A_763 = arith.constant 143656 : i32
    %select_n3A_764 = arith.select %eq3A_762, %jit3A_763, %select_n3A_760 : i32
    %eq3A_765 = arith.constant 29 : i32
    %eq3A_766 = arith.cmpi eq, %add3A, %eq3A_765 : i32
    %jit3A_767 = arith.constant 127296 : i32
    %select_n3A_768 = arith.select %eq3A_766, %jit3A_767, %select_n3A_764 : i32
    %eq3A_769 = arith.constant 30 : i32
    %eq3A_770 = arith.cmpi eq, %add3A, %eq3A_769 : i32
    %jit3A_771 = arith.constant 115016 : i32
    %select_n3A_772 = arith.select %eq3A_770, %jit3A_771, %select_n3A_768 : i32
    %eq3A_773 = arith.constant 31 : i32
    %eq3A_774 = arith.cmpi eq, %add3A, %eq3A_773 : i32
    %jit3A_775 = arith.constant 98632 : i32
    %select_n3A_776 = arith.select %eq3A_774, %jit3A_775, %select_n3A_772 : i32
    %shift_right_logical3A_777 = arith.constant 9 : i32
    %shift_right_logical3A_778 = arith.shrui %select_n3A_776, %shift_right_logical3A_777 : i32
    %multiple_of3A_779 = tpu.assume_multiple %shift_right_logical3A_778, 8 : i32
    %and3A_780 = arith.constant 511 : i32
    %and3A_781 = arith.andi %select_n3A_776, %and3A_780 : i32
    %multiple_of3A_782 = tpu.assume_multiple %and3A_781, 8 : i32
    %broadcast_in_dim3A = arith.constant 0.000000e+00 : f32
    %broadcast_in_dim3A_783 = vector.broadcast %broadcast_in_dim3A : f32 to vector<16xf32>
    %swap3A = arith.constant 256 : i32
    %swap3A_784 = arith.index_cast %swap3A : i32 to index
    %swap3A_785 = arith.constant 0 : index
    %swap3A_786 = tpu.vector_load %arg8[%swap3A_784, %swap3A_785] {strides = array<i32>} : memref<264x64xf32, #tpu.memory_space<vmem>>, vector<16xf32>,
    tpu.vector_store %arg8[%swap3A_784, %swap3A_785], %broadcast_in_dim3A_783 {strides = array<i32>} : memref<264x64xf32, #tpu.memory_space<vmem>>, vector<16xf32>,
    %swap3A_787 = arith.constant 256 : i32
    %swap3A_788 = arith.index_cast %swap3A_787 : i32 to index
    %swap3A_789 = arith.constant 16 : index
    %swap3A_790 = tpu.vector_load %arg8[%swap3A_788, %swap3A_789] {strides = array<i32>} : memref<264x64xf32, #tpu.memory_space<vmem>>, vector<16xf32>,
    tpu.vector_store %arg8[%swap3A_788, %swap3A_789], %broadcast_in_dim3A_783 {strides = array<i32>} : memref<264x64xf32, #tpu.memory_space<vmem>>, vector<16xf32>,
    %swap3A_791 = arith.constant 256 : i32
    %swap3A_792 = arith.index_cast %swap3A_791 : i32 to index
    %swap3A_793 = arith.constant 32 : index
    %swap3A_794 = tpu.vector_load %arg8[%swap3A_792, %swap3A_793] {strides = array<i32>} : memref<264x64xf32, #tpu.memory_space<vmem>>, vector<16xf32>,
    tpu.vector_store %arg8[%swap3A_792, %swap3A_793], %broadcast_in_dim3A_783 {strides = array<i32>} : memref<264x64xf32, #tpu.memory_space<vmem>>, vector<16xf32>,
    %swap3A_795 = arith.constant 256 : i32
    %swap3A_796 = arith.index_cast %swap3A_795 : i32 to index
    %swap3A_797 = arith.constant 48 : index
    %swap3A_798 = tpu.vector_load %arg8[%swap3A_796, %swap3A_797] {strides = array<i32>} : memref<264x64xf32, #tpu.memory_space<vmem>>, vector<16xf32>,
    tpu.vector_store %arg8[%swap3A_796, %swap3A_797], %broadcast_in_dim3A_783 {strides = array<i32>} : memref<264x64xf32, #tpu.memory_space<vmem>>, vector<16xf32>,
    %swap3A_799 = arith.constant 257 : i32
    %swap3A_800 = arith.index_cast %swap3A_799 : i32 to index
    %swap3A_801 = arith.constant 0 : index
    %swap3A_802 = tpu.vector_load %arg8[%swap3A_800, %swap3A_801] {strides = array<i32>} : memref<264x64xf32, #tpu.memory_space<vmem>>, vector<16xf32>,
    tpu.vector_store %arg8[%swap3A_800, %swap3A_801], %broadcast_in_dim3A_783 {strides = array<i32>} : memref<264x64xf32, #tpu.memory_space<vmem>>, vector<16xf32>,
    %swap3A_803 = arith.constant 257 : i32
    %swap3A_804 = arith.index_cast %swap3A_803 : i32 to index
    %swap3A_805 = arith.constant 16 : index
    %swap3A_806 = tpu.vector_load %arg8[%swap3A_804, %swap3A_805] {strides = array<i32>} : memref<264x64xf32, #tpu.memory_space<vmem>>, vector<16xf32>,
    tpu.vector_store %arg8[%swap3A_804, %swap3A_805], %broadcast_in_dim3A_783 {strides = array<i32>} : memref<264x64xf32, #tpu.memory_space<vmem>>, vector<16xf32>,
    %swap3A_807 = arith.constant 257 : i32
    %swap3A_808 = arith.index_cast %swap3A_807 : i32 to index
    %swap3A_809 = arith.constant 32 : index
    %swap3A_810 = tpu.vector_load %arg8[%swap3A_808, %swap3A_809] {strides = array<i32>} : memref<264x64xf32, #tpu.memory_space<vmem>>, vector<16xf32>,
    tpu.vector_store %arg8[%swap3A_808, %swap3A_809], %broadcast_in_dim3A_783 {strides = array<i32>} : memref<264x64xf32, #tpu.memory_space<vmem>>, vector<16xf32>,
    %swap3A_811 = arith.constant 257 : i32
    %swap3A_812 = arith.index_cast %swap3A_811 : i32 to index
    %swap3A_813 = arith.constant 48 : index
    %swap3A_814 = tpu.vector_load %arg8[%swap3A_812, %swap3A_813] {strides = array<i32>} : memref<264x64xf32, #tpu.memory_space<vmem>>, vector<16xf32>,
    tpu.vector_store %arg8[%swap3A_812, %swap3A_813], %broadcast_in_dim3A_783 {strides = array<i32>} : memref<264x64xf32, #tpu.memory_space<vmem>>, vector<16xf32>,
    %swap3A_815 = arith.constant 258 : i32
    %swap3A_816 = arith.index_cast %swap3A_815 : i32 to index
    %swap3A_817 = arith.constant 0 : index
    %swap3A_818 = tpu.vector_load %arg8[%swap3A_816, %swap3A_817] {strides = array<i32>} : memref<264x64xf32, #tpu.memory_space<vmem>>, vector<16xf32>,
    tpu.vector_store %arg8[%swap3A_816, %swap3A_817], %broadcast_in_dim3A_783 {strides = array<i32>} : memref<264x64xf32, #tpu.memory_space<vmem>>, vector<16xf32>,
    %swap3A_819 = arith.constant 258 : i32
    %swap3A_820 = arith.index_cast %swap3A_819 : i32 to index
    %swap3A_821 = arith.constant 16 : index
    %swap3A_822 = tpu.vector_load %arg8[%swap3A_820, %swap3A_821] {strides = array<i32>} : memref<264x64xf32, #tpu.memory_space<vmem>>, vector<16xf32>,
    tpu.vector_store %arg8[%swap3A_820, %swap3A_821], %broadcast_in_dim3A_783 {strides = array<i32>} : memref<264x64xf32, #tpu.memory_space<vmem>>, vector<16xf32>,
    %swap3A_823 = arith.constant 258 : i32
    %swap3A_824 = arith.index_cast %swap3A_823 : i32 to index
    %swap3A_825 = arith.constant 32 : index
    %swap3A_826 = tpu.vector_load %arg8[%swap3A_824, %swap3A_825] {strides = array<i32>} : memref<264x64xf32, #tpu.memory_space<vmem>>, vector<16xf32>,
    tpu.vector_store %arg8[%swap3A_824, %swap3A_825], %broadcast_in_dim3A_783 {strides = array<i32>} : memref<264x64xf32, #tpu.memory_space<vmem>>, vector<16xf32>,
    %swap3A_827 = arith.constant 258 : i32
    %swap3A_828 = arith.index_cast %swap3A_827 : i32 to index
    %swap3A_829 = arith.constant 48 : index
    %swap3A_830 = tpu.vector_load %arg8[%swap3A_828, %swap3A_829] {strides = array<i32>} : memref<264x64xf32, #tpu.memory_space<vmem>>, vector<16xf32>,
    tpu.vector_store %arg8[%swap3A_828, %swap3A_829], %broadcast_in_dim3A_783 {strides = array<i32>} : memref<264x64xf32, #tpu.memory_space<vmem>>, vector<16xf32>,
    %swap3A_831 = arith.constant 259 : i32
    %swap3A_832 = arith.index_cast %swap3A_831 : i32 to index
    %swap3A_833 = arith.constant 0 : index
    %swap3A_834 = tpu.vector_load %arg8[%swap3A_832, %swap3A_833] {strides = array<i32>} : memref<264x64xf32, #tpu.memory_space<vmem>>, vector<16xf32>,
    tpu.vector_store %arg8[%swap3A_832, %swap3A_833], %broadcast_in_dim3A_783 {strides = array<i32>} : memref<264x64xf32, #tpu.memory_space<vmem>>, vector<16xf32>,
    %swap3A_835 = arith.constant 259 : i32
    %swap3A_836 = arith.index_cast %swap3A_835 : i32 to index
    %swap3A_837 = arith.constant 16 : index
    %swap3A_838 = tpu.vector_load %arg8[%swap3A_836, %swap3A_837] {strides = array<i32>} : memref<264x64xf32, #tpu.memory_space<vmem>>, vector<16xf32>,
    tpu.vector_store %arg8[%swap3A_836, %swap3A_837], %broadcast_in_dim3A_783 {strides = array<i32>} : memref<264x64xf32, #tpu.memory_space<vmem>>, vector<16xf32>,
    %swap3A_839 = arith.constant 259 : i32
    %swap3A_840 = arith.index_cast %swap3A_839 : i32 to index
    %swap3A_841 = arith.constant 32 : index
    %swap3A_842 = tpu.vector_load %arg8[%swap3A_840, %swap3A_841] {strides = array<i32>} : memref<264x64xf32, #tpu.memory_space<vmem>>, vector<16xf32>,
    tpu.vector_store %arg8[%swap3A_840, %swap3A_841], %broadcast_in_dim3A_783 {strides = array<i32>} : memref<264x64xf32, #tpu.memory_space<vmem>>, vector<16xf32>,
    %swap3A_843 = arith.constant 259 : i32
    %swap3A_844 = arith.index_cast %swap3A_843 : i32 to index
    %swap3A_845 = arith.constant 48 : index
    %swap3A_846 = tpu.vector_load %arg8[%swap3A_844, %swap3A_845] {strides = array<i32>} : memref<264x64xf32, #tpu.memory_space<vmem>>, vector<16xf32>,
    tpu.vector_store %arg8[%swap3A_844, %swap3A_845], %broadcast_in_dim3A_783 {strides = array<i32>} : memref<264x64xf32, #tpu.memory_space<vmem>>, vector<16xf32>,
    %swap3A_847 = arith.constant 260 : i32
    %swap3A_848 = arith.index_cast %swap3A_847 : i32 to index
    %swap3A_849 = arith.constant 0 : index
    %swap3A_850 = tpu.vector_load %arg8[%swap3A_848, %swap3A_849] {strides = array<i32>} : memref<264x64xf32, #tpu.memory_space<vmem>>, vector<16xf32>,
    tpu.vector_store %arg8[%swap3A_848, %swap3A_849], %broadcast_in_dim3A_783 {strides = array<i32>} : memref<264x64xf32, #tpu.memory_space<vmem>>, vector<16xf32>,
    %swap3A_851 = arith.constant 260 : i32
    %swap3A_852 = arith.index_cast %swap3A_851 : i32 to index
    %swap3A_853 = arith.constant 16 : index
    %swap3A_854 = tpu.vector_load %arg8[%swap3A_852, %swap3A_853] {strides = array<i32>} : memref<264x64xf32, #tpu.memory_space<vmem>>, vector<16xf32>,
    tpu.vector_store %arg8[%swap3A_852, %swap3A_853], %broadcast_in_dim3A_783 {strides = array<i32>} : memref<264x64xf32, #tpu.memory_space<vmem>>, vector<16xf32>,
    %swap3A_855 = arith.constant 260 : i32
    %swap3A_856 = arith.index_cast %swap3A_855 : i32 to index
    %swap3A_857 = arith.constant 32 : index
    %swap3A_858 = tpu.vector_load %arg8[%swap3A_856, %swap3A_857] {strides = array<i32>} : memref<264x64xf32, #tpu.memory_space<vmem>>, vector<16xf32>,
    tpu.vector_store %arg8[%swap3A_856, %swap3A_857], %broadcast_in_dim3A_783 {strides = array<i32>} : memref<264x64xf32, #tpu.memory_space<vmem>>, vector<16xf32>,
    %swap3A_859 = arith.constant 260 : i32
    %swap3A_860 = arith.index_cast %swap3A_859 : i32 to index
    %swap3A_861 = arith.constant 48 : index
    %swap3A_862 = tpu.vector_load %arg8[%swap3A_860, %swap3A_861] {strides = array<i32>} : memref<264x64xf32, #tpu.memory_space<vmem>>, vector<16xf32>,
    tpu.vector_store %arg8[%swap3A_860, %swap3A_861], %broadcast_in_dim3A_783 {strides = array<i32>} : memref<264x64xf32, #tpu.memory_space<vmem>>, vector<16xf32>,
    %swap3A_863 = arith.constant 261 : i32
    %swap3A_864 = arith.index_cast %swap3A_863 : i32 to index
    %swap3A_865 = arith.constant 0 : index
    %swap3A_866 = tpu.vector_load %arg8[%swap3A_864, %swap3A_865] {strides = array<i32>} : memref<264x64xf32, #tpu.memory_space<vmem>>, vector<16xf32>,
    tpu.vector_store %arg8[%swap3A_864, %swap3A_865], %broadcast_in_dim3A_783 {strides = array<i32>} : memref<264x64xf32, #tpu.memory_space<vmem>>, vector<16xf32>,
    %swap3A_867 = arith.constant 261 : i32
    %swap3A_868 = arith.index_cast %swap3A_867 : i32 to index
    %swap3A_869 = arith.constant 16 : index
    %swap3A_870 = tpu.vector_load %arg8[%swap3A_868, %swap3A_869] {strides = array<i32>} : memref<264x64xf32, #tpu.memory_space<vmem>>, vector<16xf32>,
    tpu.vector_store %arg8[%swap3A_868, %swap3A_869], %broadcast_in_dim3A_783 {strides = array<i32>} : memref<264x64xf32, #tpu.memory_space<vmem>>, vector<16xf32>,
    %swap3A_871 = arith.constant 261 : i32
    %swap3A_872 = arith.index_cast %swap3A_871 : i32 to index
    %swap3A_873 = arith.constant 32 : index
    %swap3A_874 = tpu.vector_load %arg8[%swap3A_872, %swap3A_873] {strides = array<i32>} : memref<264x64xf32, #tpu.memory_space<vmem>>, vector<16xf32>,
    tpu.vector_store %arg8[%swap3A_872, %swap3A_873], %broadcast_in_dim3A_783 {strides = array<i32>} : memref<264x64xf32, #tpu.memory_space<vmem>>, vector<16xf32>,
    %swap3A_875 = arith.constant 261 : i32
    %swap3A_876 = arith.index_cast %swap3A_875 : i32 to index
    %swap3A_877 = arith.constant 48 : index
    %swap3A_878 = tpu.vector_load %arg8[%swap3A_876, %swap3A_877] {strides = array<i32>} : memref<264x64xf32, #tpu.memory_space<vmem>>, vector<16xf32>,
    tpu.vector_store %arg8[%swap3A_876, %swap3A_877], %broadcast_in_dim3A_783 {strides = array<i32>} : memref<264x64xf32, #tpu.memory_space<vmem>>, vector<16xf32>,
    %swap3A_879 = arith.constant 262 : i32
    %swap3A_880 = arith.index_cast %swap3A_879 : i32 to index
    %swap3A_881 = arith.constant 0 : index
    %swap3A_882 = tpu.vector_load %arg8[%swap3A_880, %swap3A_881] {strides = array<i32>} : memref<264x64xf32, #tpu.memory_space<vmem>>, vector<16xf32>,
    tpu.vector_store %arg8[%swap3A_880, %swap3A_881], %broadcast_in_dim3A_783 {strides = array<i32>} : memref<264x64xf32, #tpu.memory_space<vmem>>, vector<16xf32>,
    %swap3A_883 = arith.constant 262 : i32
    %swap3A_884 = arith.index_cast %swap3A_883 : i32 to index
    %swap3A_885 = arith.constant 16 : index
    %swap3A_886 = tpu.vector_load %arg8[%swap3A_884, %swap3A_885] {strides = array<i32>} : memref<264x64xf32, #tpu.memory_space<vmem>>, vector<16xf32>,
    tpu.vector_store %arg8[%swap3A_884, %swap3A_885], %broadcast_in_dim3A_783 {strides = array<i32>} : memref<264x64xf32, #tpu.memory_space<vmem>>, vector<16xf32>,
    %swap3A_887 = arith.constant 262 : i32
    %swap3A_888 = arith.index_cast %swap3A_887 : i32 to index
    %swap3A_889 = arith.constant 32 : index
    %swap3A_890 = tpu.vector_load %arg8[%swap3A_888, %swap3A_889] {strides = array<i32>} : memref<264x64xf32, #tpu.memory_space<vmem>>, vector<16xf32>,
    tpu.vector_store %arg8[%swap3A_888, %swap3A_889], %broadcast_in_dim3A_783 {strides = array<i32>} : memref<264x64xf32, #tpu.memory_space<vmem>>, vector<16xf32>,
    %swap3A_891 = arith.constant 262 : i32
    %swap3A_892 = arith.index_cast %swap3A_891 : i32 to index
    %swap3A_893 = arith.constant 48 : index
    %swap3A_894 = tpu.vector_load %arg8[%swap3A_892, %swap3A_893] {strides = array<i32>} : memref<264x64xf32, #tpu.memory_space<vmem>>, vector<16xf32>,
    tpu.vector_store %arg8[%swap3A_892, %swap3A_893], %broadcast_in_dim3A_783 {strides = array<i32>} : memref<264x64xf32, #tpu.memory_space<vmem>>, vector<16xf32>,
    %swap3A_895 = arith.constant 263 : i32
    %swap3A_896 = arith.index_cast %swap3A_895 : i32 to index
    %swap3A_897 = arith.constant 0 : index
    %swap3A_898 = tpu.vector_load %arg8[%swap3A_896, %swap3A_897] {strides = array<i32>} : memref<264x64xf32, #tpu.memory_space<vmem>>, vector<16xf32>,
    tpu.vector_store %arg8[%swap3A_896, %swap3A_897], %broadcast_in_dim3A_783 {strides = array<i32>} : memref<264x64xf32, #tpu.memory_space<vmem>>, vector<16xf32>,
    %swap3A_899 = arith.constant 263 : i32
    %swap3A_900 = arith.index_cast %swap3A_899 : i32 to index
    %swap3A_901 = arith.constant 16 : index
    %swap3A_902 = tpu.vector_load %arg8[%swap3A_900, %swap3A_901] {strides = array<i32>} : memref<264x64xf32, #tpu.memory_space<vmem>>, vector<16xf32>,
    tpu.vector_store %arg8[%swap3A_900, %swap3A_901], %broadcast_in_dim3A_783 {strides = array<i32>} : memref<264x64xf32, #tpu.memory_space<vmem>>, vector<16xf32>,
    %swap3A_903 = arith.constant 263 : i32
    %swap3A_904 = arith.index_cast %swap3A_903 : i32 to index
    %swap3A_905 = arith.constant 32 : index
    %swap3A_906 = tpu.vector_load %arg8[%swap3A_904, %swap3A_905] {strides = array<i32>} : memref<264x64xf32, #tpu.memory_space<vmem>>, vector<16xf32>,
    tpu.vector_store %arg8[%swap3A_904, %swap3A_905], %broadcast_in_dim3A_783 {strides = array<i32>} : memref<264x64xf32, #tpu.memory_space<vmem>>, vector<16xf32>,
    %swap3A_907 = arith.constant 263 : i32
    %swap3A_908 = arith.index_cast %swap3A_907 : i32 to index
    %swap3A_909 = arith.constant 48 : index
    %swap3A_910 = tpu.vector_load %arg8[%swap3A_908, %swap3A_909] {strides = array<i32>} : memref<264x64xf32, #tpu.memory_space<vmem>>, vector<16xf32>,
    tpu.vector_store %arg8[%swap3A_908, %swap3A_909], %broadcast_in_dim3A_783 {strides = array<i32>} : memref<264x64xf32, #tpu.memory_space<vmem>>, vector<16xf32>,
    %swap3A_911 = arith.constant 256 : i32
    %swap3A_912 = arith.index_cast %swap3A_911 : i32 to index
    %swap3A_913 = arith.constant 0 : index
    %swap3A_914 = tpu.vector_load %arg9[%swap3A_912, %swap3A_913] {strides = array<i32>} : memref<264x64xf32, #tpu.memory_space<vmem>>, vector<16xf32>,
    tpu.vector_store %arg9[%swap3A_912, %swap3A_913], %broadcast_in_dim3A_783 {strides = array<i32>} : memref<264x64xf32, #tpu.memory_space<vmem>>, vector<16xf32>,
    %swap3A_915 = arith.constant 256 : i32
    %swap3A_916 = arith.index_cast %swap3A_915 : i32 to index
    %swap3A_917 = arith.constant 16 : index
    %swap3A_918 = tpu.vector_load %arg9[%swap3A_916, %swap3A_917] {strides = array<i32>} : memref<264x64xf32, #tpu.memory_space<vmem>>, vector<16xf32>,
    tpu.vector_store %arg9[%swap3A_916, %swap3A_917], %broadcast_in_dim3A_783 {strides = array<i32>} : memref<264x64xf32, #tpu.memory_space<vmem>>, vector<16xf32>,
    %swap3A_919 = arith.constant 256 : i32
    %swap3A_920 = arith.index_cast %swap3A_919 : i32 to index
    %swap3A_921 = arith.constant 32 : index
    %swap3A_922 = tpu.vector_load %arg9[%swap3A_920, %swap3A_921] {strides = array<i32>} : memref<264x64xf32, #tpu.memory_space<vmem>>, vector<16xf32>,
    tpu.vector_store %arg9[%swap3A_920, %swap3A_921], %broadcast_in_dim3A_783 {strides = array<i32>} : memref<264x64xf32, #tpu.memory_space<vmem>>, vector<16xf32>,
    %swap3A_923 = arith.constant 256 : i32
    %swap3A_924 = arith.index_cast %swap3A_923 : i32 to index
    %swap3A_925 = arith.constant 48 : index
    %swap3A_926 = tpu.vector_load %arg9[%swap3A_924, %swap3A_925] {strides = array<i32>} : memref<264x64xf32, #tpu.memory_space<vmem>>, vector<16xf32>,
    tpu.vector_store %arg9[%swap3A_924, %swap3A_925], %broadcast_in_dim3A_783 {strides = array<i32>} : memref<264x64xf32, #tpu.memory_space<vmem>>, vector<16xf32>,
    %swap3A_927 = arith.constant 257 : i32
    %swap3A_928 = arith.index_cast %swap3A_927 : i32 to index
    %swap3A_929 = arith.constant 0 : index
    %swap3A_930 = tpu.vector_load %arg9[%swap3A_928, %swap3A_929] {strides = array<i32>} : memref<264x64xf32, #tpu.memory_space<vmem>>, vector<16xf32>,
    tpu.vector_store %arg9[%swap3A_928, %swap3A_929], %broadcast_in_dim3A_783 {strides = array<i32>} : memref<264x64xf32, #tpu.memory_space<vmem>>, vector<16xf32>,
    %swap3A_931 = arith.constant 257 : i32
    %swap3A_932 = arith.index_cast %swap3A_931 : i32 to index
    %swap3A_933 = arith.constant 16 : index
    %swap3A_934 = tpu.vector_load %arg9[%swap3A_932, %swap3A_933] {strides = array<i32>} : memref<264x64xf32, #tpu.memory_space<vmem>>, vector<16xf32>,
    tpu.vector_store %arg9[%swap3A_932, %swap3A_933], %broadcast_in_dim3A_783 {strides = array<i32>} : memref<264x64xf32, #tpu.memory_space<vmem>>, vector<16xf32>,
    %swap3A_935 = arith.constant 257 : i32
    %swap3A_936 = arith.index_cast %swap3A_935 : i32 to index
    %swap3A_937 = arith.constant 32 : index
    %swap3A_938 = tpu.vector_load %arg9[%swap3A_936, %swap3A_937] {strides = array<i32>} : memref<264x64xf32, #tpu.memory_space<vmem>>, vector<16xf32>,
    tpu.vector_store %arg9[%swap3A_936, %swap3A_937], %broadcast_in_dim3A_783 {strides = array<i32>} : memref<264x64xf32, #tpu.memory_space<vmem>>, vector<16xf32>,
    %swap3A_939 = arith.constant 257 : i32
    %swap3A_940 = arith.index_cast %swap3A_939 : i32 to index
    %swap3A_941 = arith.constant 48 : index
    %swap3A_942 = tpu.vector_load %arg9[%swap3A_940, %swap3A_941] {strides = array<i32>} : memref<264x64xf32, #tpu.memory_space<vmem>>, vector<16xf32>,
    tpu.vector_store %arg9[%swap3A_940, %swap3A_941], %broadcast_in_dim3A_783 {strides = array<i32>} : memref<264x64xf32, #tpu.memory_space<vmem>>, vector<16xf32>,
    %swap3A_943 = arith.constant 258 : i32
    %swap3A_944 = arith.index_cast %swap3A_943 : i32 to index
    %swap3A_945 = arith.constant 0 : index
    %swap3A_946 = tpu.vector_load %arg9[%swap3A_944, %swap3A_945] {strides = array<i32>} : memref<264x64xf32, #tpu.memory_space<vmem>>, vector<16xf32>,
    tpu.vector_store %arg9[%swap3A_944, %swap3A_945], %broadcast_in_dim3A_783 {strides = array<i32>} : memref<264x64xf32, #tpu.memory_space<vmem>>, vector<16xf32>,
    %swap3A_947 = arith.constant 258 : i32
    %swap3A_948 = arith.index_cast %swap3A_947 : i32 to index
    %swap3A_949 = arith.constant 16 : index
    %swap3A_950 = tpu.vector_load %arg9[%swap3A_948, %swap3A_949] {strides = array<i32>} : memref<264x64xf32, #tpu.memory_space<vmem>>, vector<16xf32>,
    tpu.vector_store %arg9[%swap3A_948, %swap3A_949], %broadcast_in_dim3A_783 {strides = array<i32>} : memref<264x64xf32, #tpu.memory_space<vmem>>, vector<16xf32>,
    %swap3A_951 = arith.constant 258 : i32
    %swap3A_952 = arith.index_cast %swap3A_951 : i32 to index
    %swap3A_953 = arith.constant 32 : index
    %swap3A_954 = tpu.vector_load %arg9[%swap3A_952, %swap3A_953] {strides = array<i32>} : memref<264x64xf32, #tpu.memory_space<vmem>>, vector<16xf32>,
    tpu.vector_store %arg9[%swap3A_952, %swap3A_953], %broadcast_in_dim3A_783 {strides = array<i32>} : memref<264x64xf32, #tpu.memory_space<vmem>>, vector<16xf32>,
    %swap3A_955 = arith.constant 258 : i32
    %swap3A_956 = arith.index_cast %swap3A_955 : i32 to index
    %swap3A_957 = arith.constant 48 : index
    %swap3A_958 = tpu.vector_load %arg9[%swap3A_956, %swap3A_957] {strides = array<i32>} : memref<264x64xf32, #tpu.memory_space<vmem>>, vector<16xf32>,
    tpu.vector_store %arg9[%swap3A_956, %swap3A_957], %broadcast_in_dim3A_783 {strides = array<i32>} : memref<264x64xf32, #tpu.memory_space<vmem>>, vector<16xf32>,
    %swap3A_959 = arith.constant 259 : i32
    %swap3A_960 = arith.index_cast %swap3A_959 : i32 to index
    %swap3A_961 = arith.constant 0 : index
    %swap3A_962 = tpu.vector_load %arg9[%swap3A_960, %swap3A_961] {strides = array<i32>} : memref<264x64xf32, #tpu.memory_space<vmem>>, vector<16xf32>,
    tpu.vector_store %arg9[%swap3A_960, %swap3A_961], %broadcast_in_dim3A_783 {strides = array<i32>} : memref<264x64xf32, #tpu.memory_space<vmem>>, vector<16xf32>,
    %swap3A_963 = arith.constant 259 : i32
    %swap3A_964 = arith.index_cast %swap3A_963 : i32 to index
    %swap3A_965 = arith.constant 16 : index
    %swap3A_966 = tpu.vector_load %arg9[%swap3A_964, %swap3A_965] {strides = array<i32>} : memref<264x64xf32, #tpu.memory_space<vmem>>, vector<16xf32>,
    tpu.vector_store %arg9[%swap3A_964, %swap3A_965], %broadcast_in_dim3A_783 {strides = array<i32>} : memref<264x64xf32, #tpu.memory_space<vmem>>, vector<16xf32>,
    %swap3A_967 = arith.constant 259 : i32
    %swap3A_968 = arith.index_cast %swap3A_967 : i32 to index
    %swap3A_969 = arith.constant 32 : index
    %swap3A_970 = tpu.vector_load %arg9[%swap3A_968, %swap3A_969] {strides = array<i32>} : memref<264x64xf32, #tpu.memory_space<vmem>>, vector<16xf32>,
    tpu.vector_store %arg9[%swap3A_968, %swap3A_969], %broadcast_in_dim3A_783 {strides = array<i32>} : memref<264x64xf32, #tpu.memory_space<vmem>>, vector<16xf32>,
    %swap3A_971 = arith.constant 259 : i32
    %swap3A_972 = arith.index_cast %swap3A_971 : i32 to index
    %swap3A_973 = arith.constant 48 : index
    %swap3A_974 = tpu.vector_load %arg9[%swap3A_972, %swap3A_973] {strides = array<i32>} : memref<264x64xf32, #tpu.memory_space<vmem>>, vector<16xf32>,
    tpu.vector_store %arg9[%swap3A_972, %swap3A_973], %broadcast_in_dim3A_783 {strides = array<i32>} : memref<264x64xf32, #tpu.memory_space<vmem>>, vector<16xf32>,
    %swap3A_975 = arith.constant 260 : i32
    %swap3A_976 = arith.index_cast %swap3A_975 : i32 to index
    %swap3A_977 = arith.constant 0 : index
    %swap3A_978 = tpu.vector_load %arg9[%swap3A_976, %swap3A_977] {strides = array<i32>} : memref<264x64xf32, #tpu.memory_space<vmem>>, vector<16xf32>,
    tpu.vector_store %arg9[%swap3A_976, %swap3A_977], %broadcast_in_dim3A_783 {strides = array<i32>} : memref<264x64xf32, #tpu.memory_space<vmem>>, vector<16xf32>,
    %swap3A_979 = arith.constant 260 : i32
    %swap3A_980 = arith.index_cast %swap3A_979 : i32 to index
    %swap3A_981 = arith.constant 16 : index
    %swap3A_982 = tpu.vector_load %arg9[%swap3A_980, %swap3A_981] {strides = array<i32>} : memref<264x64xf32, #tpu.memory_space<vmem>>, vector<16xf32>,
    tpu.vector_store %arg9[%swap3A_980, %swap3A_981], %broadcast_in_dim3A_783 {strides = array<i32>} : memref<264x64xf32, #tpu.memory_space<vmem>>, vector<16xf32>,
    %swap3A_983 = arith.constant 260 : i32
    %swap3A_984 = arith.index_cast %swap3A_983 : i32 to index
    %swap3A_985 = arith.constant 32 : index
    %swap3A_986 = tpu.vector_load %arg9[%swap3A_984, %swap3A_985] {strides = array<i32>} : memref<264x64xf32, #tpu.memory_space<vmem>>, vector<16xf32>,
    tpu.vector_store %arg9[%swap3A_984, %swap3A_985], %broadcast_in_dim3A_783 {strides = array<i32>} : memref<264x64xf32, #tpu.memory_space<vmem>>, vector<16xf32>,
    %swap3A_987 = arith.constant 260 : i32
    %swap3A_988 = arith.index_cast %swap3A_987 : i32 to index
    %swap3A_989 = arith.constant 48 : index
    %swap3A_990 = tpu.vector_load %arg9[%swap3A_988, %swap3A_989] {strides = array<i32>} : memref<264x64xf32, #tpu.memory_space<vmem>>, vector<16xf32>,
    tpu.vector_store %arg9[%swap3A_988, %swap3A_989], %broadcast_in_dim3A_783 {strides = array<i32>} : memref<264x64xf32, #tpu.memory_space<vmem>>, vector<16xf32>,
    %swap3A_991 = arith.constant 261 : i32
    %swap3A_992 = arith.index_cast %swap3A_991 : i32 to index
    %swap3A_993 = arith.constant 0 : index
    %swap3A_994 = tpu.vector_load %arg9[%swap3A_992, %swap3A_993] {strides = array<i32>} : memref<264x64xf32, #tpu.memory_space<vmem>>, vector<16xf32>,
    tpu.vector_store %arg9[%swap3A_992, %swap3A_993], %broadcast_in_dim3A_783 {strides = array<i32>} : memref<264x64xf32, #tpu.memory_space<vmem>>, vector<16xf32>,
    %swap3A_995 = arith.constant 261 : i32
    %swap3A_996 = arith.index_cast %swap3A_995 : i32 to index
    %swap3A_997 = arith.constant 16 : index
    %swap3A_998 = tpu.vector_load %arg9[%swap3A_996, %swap3A_997] {strides = array<i32>} : memref<264x64xf32, #tpu.memory_space<vmem>>, vector<16xf32>,
    tpu.vector_store %arg9[%swap3A_996, %swap3A_997], %broadcast_in_dim3A_783 {strides = array<i32>} : memref<264x64xf32, #tpu.memory_space<vmem>>, vector<16xf32>,
    %swap3A_999 = arith.constant 261 : i32
    %swap3A_1000 = arith.index_cast %swap3A_999 : i32 to index
    %swap3A_1001 = arith.constant 32 : index
    %swap3A_1002 = tpu.vector_load %arg9[%swap3A_1000, %swap3A_1001] {strides = array<i32>} : memref<264x64xf32, #tpu.memory_space<vmem>>, vector<16xf32>,
    tpu.vector_store %arg9[%swap3A_1000, %swap3A_1001], %broadcast_in_dim3A_783 {strides = array<i32>} : memref<264x64xf32, #tpu.memory_space<vmem>>, vector<16xf32>,
    %swap3A_1003 = arith.constant 261 : i32
    %swap3A_1004 = arith.index_cast %swap3A_1003 : i32 to index
    %swap3A_1005 = arith.constant 48 : index
    %swap3A_1006 = tpu.vector_load %arg9[%swap3A_1004, %swap3A_1005] {strides = array<i32>} : memref<264x64xf32, #tpu.memory_space<vmem>>, vector<16xf32>,
    tpu.vector_store %arg9[%swap3A_1004, %swap3A_1005], %broadcast_in_dim3A_783 {strides = array<i32>} : memref<264x64xf32, #tpu.memory_space<vmem>>, vector<16xf32>,
    %swap3A_1007 = arith.constant 262 : i32
    %swap3A_1008 = arith.index_cast %swap3A_1007 : i32 to index
    %swap3A_1009 = arith.constant 0 : index
    %swap3A_1010 = tpu.vector_load %arg9[%swap3A_1008, %swap3A_1009] {strides = array<i32>} : memref<264x64xf32, #tpu.memory_space<vmem>>, vector<16xf32>,
    tpu.vector_store %arg9[%swap3A_1008, %swap3A_1009], %broadcast_in_dim3A_783 {strides = array<i32>} : memref<264x64xf32, #tpu.memory_space<vmem>>, vector<16xf32>,
    %swap3A_1011 = arith.constant 262 : i32
    %swap3A_1012 = arith.index_cast %swap3A_1011 : i32 to index
    %swap3A_1013 = arith.constant 16 : index
    %swap3A_1014 = tpu.vector_load %arg9[%swap3A_1012, %swap3A_1013] {strides = array<i32>} : memref<264x64xf32, #tpu.memory_space<vmem>>, vector<16xf32>,
    tpu.vector_store %arg9[%swap3A_1012, %swap3A_1013], %broadcast_in_dim3A_783 {strides = array<i32>} : memref<264x64xf32, #tpu.memory_space<vmem>>, vector<16xf32>,
    %swap3A_1015 = arith.constant 262 : i32
    %swap3A_1016 = arith.index_cast %swap3A_1015 : i32 to index
    %swap3A_1017 = arith.constant 32 : index
    %swap3A_1018 = tpu.vector_load %arg9[%swap3A_1016, %swap3A_1017] {strides = array<i32>} : memref<264x64xf32, #tpu.memory_space<vmem>>, vector<16xf32>,
    tpu.vector_store %arg9[%swap3A_1016, %swap3A_1017], %broadcast_in_dim3A_783 {strides = array<i32>} : memref<264x64xf32, #tpu.memory_space<vmem>>, vector<16xf32>,
    %swap3A_1019 = arith.constant 262 : i32
    %swap3A_1020 = arith.index_cast %swap3A_1019 : i32 to index
    %swap3A_1021 = arith.constant 48 : index
    %swap3A_1022 = tpu.vector_load %arg9[%swap3A_1020, %swap3A_1021] {strides = array<i32>} : memref<264x64xf32, #tpu.memory_space<vmem>>, vector<16xf32>,
    tpu.vector_store %arg9[%swap3A_1020, %swap3A_1021], %broadcast_in_dim3A_783 {strides = array<i32>} : memref<264x64xf32, #tpu.memory_space<vmem>>, vector<16xf32>,
    %swap3A_1023 = arith.constant 263 : i32
    %swap3A_1024 = arith.index_cast %swap3A_1023 : i32 to index
    %swap3A_1025 = arith.constant 0 : index
    %swap3A_1026 = tpu.vector_load %arg9[%swap3A_1024, %swap3A_1025] {strides = array<i32>} : memref<264x64xf32, #tpu.memory_space<vmem>>, vector<16xf32>,
    tpu.vector_store %arg9[%swap3A_1024, %swap3A_1025], %broadcast_in_dim3A_783 {strides = array<i32>} : memref<264x64xf32, #tpu.memory_space<vmem>>, vector<16xf32>,
    %swap3A_1027 = arith.constant 263 : i32
    %swap3A_1028 = arith.index_cast %swap3A_1027 : i32 to index
    %swap3A_1029 = arith.constant 16 : index
    %swap3A_1030 = tpu.vector_load %arg9[%swap3A_1028, %swap3A_1029] {strides = array<i32>} : memref<264x64xf32, #tpu.memory_space<vmem>>, vector<16xf32>,
    tpu.vector_store %arg9[%swap3A_1028, %swap3A_1029], %broadcast_in_dim3A_783 {strides = array<i32>} : memref<264x64xf32, #tpu.memory_space<vmem>>, vector<16xf32>,
    %swap3A_1031 = arith.constant 263 : i32
    %swap3A_1032 = arith.index_cast %swap3A_1031 : i32 to index
    %swap3A_1033 = arith.constant 32 : index
    %swap3A_1034 = tpu.vector_load %arg9[%swap3A_1032, %swap3A_1033] {strides = array<i32>} : memref<264x64xf32, #tpu.memory_space<vmem>>, vector<16xf32>,
    tpu.vector_store %arg9[%swap3A_1032, %swap3A_1033], %broadcast_in_dim3A_783 {strides = array<i32>} : memref<264x64xf32, #tpu.memory_space<vmem>>, vector<16xf32>,
    %swap3A_1035 = arith.constant 263 : i32
    %swap3A_1036 = arith.index_cast %swap3A_1035 : i32 to index
    %swap3A_1037 = arith.constant 48 : index
    %swap3A_1038 = tpu.vector_load %arg9[%swap3A_1036, %swap3A_1037] {strides = array<i32>} : memref<264x64xf32, #tpu.memory_space<vmem>>, vector<16xf32>,
    tpu.vector_store %arg9[%swap3A_1036, %swap3A_1037], %broadcast_in_dim3A_783 {strides = array<i32>} : memref<264x64xf32, #tpu.memory_space<vmem>>, vector<16xf32>,
    %dma_start3A = arith.constant 0 : i32
    %dma_start3A_1039 = arith.constant 0 : i32
    %dma_start3A_1040 = arith.constant 0 : i32
    %dma_start3A_1041 = tpu.memref_slice %arg8[%dma_start3A_1039, %dma_start3A_1040] : memref<264x64xf32, #tpu.memory_space<vmem>> -> memref<24x24xf32, #tpu.memory_space<vmem>>
    %dma_start3A_1042 = tpu.memref_slice %arg2[%dma_start3A, %multiple_of3A, %multiple_of3A_127] : memref<384x384x384xf32, #tpu.memory_space<hbm>> -> memref<1x24x24xf32, #tpu.memory_space<hbm>>
    %dma_start3A_1043 = tpu.memref_squeeze %dma_start3A_1042 : memref<1x24x24xf32, #tpu.memory_space<hbm>> -> memref<24x24xf32, #tpu.memory_space<hbm>>
    %dma_start3A_1044 = arith.constant 0 : i32
    %dma_start3A_1045 = arith.constant 0 : i32
    %dma_start3A_1046 = tpu.memref_slice %arg8[%dma_start3A_1044, %dma_start3A_1045] : memref<264x64xf32, #tpu.memory_space<vmem>> -> memref<24x24xf32, #tpu.memory_space<vmem>>
    %dma_start3A_1047 = tpu.memref_slice %arg2[%dma_start3A, %multiple_of3A, %multiple_of3A_127] : memref<384x384x384xf32, #tpu.memory_space<hbm>> -> memref<1x24x24xf32, #tpu.memory_space<hbm>>
    %dma_start3A_1048 = tpu.memref_squeeze %dma_start3A_1047 : memref<1x24x24xf32, #tpu.memory_space<hbm>> -> memref<24x24xf32, #tpu.memory_space<hbm>>
    tpu.enqueue_dma source(%dma_start3A_1048 : memref<24x24xf32, #tpu.memory_space<hbm>>) target(%dma_start3A_1046 : memref<24x24xf32, #tpu.memory_space<vmem>>) target_semaphore(%arg10 : memref<!tpu.dma_semaphore, #tpu.memory_space<semaphore_mem>>)
    %dma_start3A_1049 = arith.constant 0 : i32
    %dma_start3A_1050 = arith.constant 24 : i32
    %dma_start3A_1051 = arith.constant 0 : i32
    %dma_start3A_1052 = tpu.memref_slice %arg8[%dma_start3A_1050, %dma_start3A_1051] : memref<264x64xf32, #tpu.memory_space<vmem>> -> memref<24x24xf32, #tpu.memory_space<vmem>>
    %dma_start3A_1053 = tpu.memref_slice %arg2[%dma_start3A_1049, %multiple_of3A_255, %multiple_of3A_258] : memref<384x384x384xf32, #tpu.memory_space<hbm>> -> memref<1x24x24xf32, #tpu.memory_space<hbm>>
    %dma_start3A_1054 = tpu.memref_squeeze %dma_start3A_1053 : memref<1x24x24xf32, #tpu.memory_space<hbm>> -> memref<24x24xf32, #tpu.memory_space<hbm>>
    %dma_start3A_1055 = arith.constant 24 : i32
    %dma_start3A_1056 = arith.constant 0 : i32
    %dma_start3A_1057 = tpu.memref_slice %arg8[%dma_start3A_1055, %dma_start3A_1056] : memref<264x64xf32, #tpu.memory_space<vmem>> -> memref<24x24xf32, #tpu.memory_space<vmem>>
    %dma_start3A_1058 = tpu.memref_slice %arg2[%dma_start3A_1049, %multiple_of3A_255, %multiple_of3A_258] : memref<384x384x384xf32, #tpu.memory_space<hbm>> -> memref<1x24x24xf32, #tpu.memory_space<hbm>>
    %dma_start3A_1059 = tpu.memref_squeeze %dma_start3A_1058 : memref<1x24x24xf32, #tpu.memory_space<hbm>> -> memref<24x24xf32, #tpu.memory_space<hbm>>
    tpu.enqueue_dma source(%dma_start3A_1059 : memref<24x24xf32, #tpu.memory_space<hbm>>) target(%dma_start3A_1057 : memref<24x24xf32, #tpu.memory_space<vmem>>) target_semaphore(%arg10 : memref<!tpu.dma_semaphore, #tpu.memory_space<semaphore_mem>>)
    %dma_start3A_1060 = arith.constant 0 : i32
    %dma_start3A_1061 = arith.constant 48 : i32
    %dma_start3A_1062 = arith.constant 0 : i32
    %dma_start3A_1063 = tpu.memref_slice %arg8[%dma_start3A_1061, %dma_start3A_1062] : memref<264x64xf32, #tpu.memory_space<vmem>> -> memref<40x40xf32, #tpu.memory_space<vmem>>
    %dma_start3A_1064 = tpu.memref_slice %arg2[%dma_start3A_1060, %multiple_of3A_386, %multiple_of3A_389] : memref<384x384x384xf32, #tpu.memory_space<hbm>> -> memref<1x40x40xf32, #tpu.memory_space<hbm>>
    %dma_start3A_1065 = tpu.memref_squeeze %dma_start3A_1064 : memref<1x40x40xf32, #tpu.memory_space<hbm>> -> memref<40x40xf32, #tpu.memory_space<hbm>>
    %dma_start3A_1066 = arith.constant 48 : i32
    %dma_start3A_1067 = arith.constant 0 : i32
    %dma_start3A_1068 = tpu.memref_slice %arg8[%dma_start3A_1066, %dma_start3A_1067] : memref<264x64xf32, #tpu.memory_space<vmem>> -> memref<40x40xf32, #tpu.memory_space<vmem>>
    %dma_start3A_1069 = tpu.memref_slice %arg2[%dma_start3A_1060, %multiple_of3A_386, %multiple_of3A_389] : memref<384x384x384xf32, #tpu.memory_space<hbm>> -> memref<1x40x40xf32, #tpu.memory_space<hbm>>
    %dma_start3A_1070 = tpu.memref_squeeze %dma_start3A_1069 : memref<1x40x40xf32, #tpu.memory_space<hbm>> -> memref<40x40xf32, #tpu.memory_space<hbm>>
    tpu.enqueue_dma source(%dma_start3A_1070 : memref<40x40xf32, #tpu.memory_space<hbm>>) target(%dma_start3A_1068 : memref<40x40xf32, #tpu.memory_space<vmem>>) target_semaphore(%arg10 : memref<!tpu.dma_semaphore, #tpu.memory_space<semaphore_mem>>)
    %dma_start3A_1071 = arith.constant 0 : i32
    %dma_start3A_1072 = arith.constant 88 : i32
    %dma_start3A_1073 = arith.constant 0 : i32
    %dma_start3A_1074 = tpu.memref_slice %arg8[%dma_start3A_1072, %dma_start3A_1073] : memref<264x64xf32, #tpu.memory_space<vmem>> -> memref<48x48xf32, #tpu.memory_space<vmem>>
    %dma_start3A_1075 = tpu.memref_slice %arg2[%dma_start3A_1071, %multiple_of3A_517, %multiple_of3A_520] : memref<384x384x384xf32, #tpu.memory_space<hbm>> -> memref<1x48x48xf32, #tpu.memory_space<hbm>>
    %dma_start3A_1076 = tpu.memref_squeeze %dma_start3A_1075 : memref<1x48x48xf32, #tpu.memory_space<hbm>> -> memref<48x48xf32, #tpu.memory_space<hbm>>
    %dma_start3A_1077 = arith.constant 88 : i32
    %dma_start3A_1078 = arith.constant 0 : i32
    %dma_start3A_1079 = tpu.memref_slice %arg8[%dma_start3A_1077, %dma_start3A_1078] : memref<264x64xf32, #tpu.memory_space<vmem>> -> memref<48x48xf32, #tpu.memory_space<vmem>>
    %dma_start3A_1080 = tpu.memref_slice %arg2[%dma_start3A_1071, %multiple_of3A_517, %multiple_of3A_520] : memref<384x384x384xf32, #tpu.memory_space<hbm>> -> memref<1x48x48xf32, #tpu.memory_space<hbm>>
    %dma_start3A_1081 = tpu.memref_squeeze %dma_start3A_1080 : memref<1x48x48xf32, #tpu.memory_space<hbm>> -> memref<48x48xf32, #tpu.memory_space<hbm>>
    tpu.enqueue_dma source(%dma_start3A_1081 : memref<48x48xf32, #tpu.memory_space<hbm>>) target(%dma_start3A_1079 : memref<48x48xf32, #tpu.memory_space<vmem>>) target_semaphore(%arg10 : memref<!tpu.dma_semaphore, #tpu.memory_space<semaphore_mem>>)
    %dma_start3A_1082 = arith.constant 0 : i32
    %dma_start3A_1083 = arith.constant 136 : i32
    %dma_start3A_1084 = arith.constant 0 : i32
    %dma_start3A_1085 = tpu.memref_slice %arg8[%dma_start3A_1083, %dma_start3A_1084] : memref<264x64xf32, #tpu.memory_space<vmem>> -> memref<64x64xf32, #tpu.memory_space<vmem>>
    %dma_start3A_1086 = tpu.memref_slice %arg2[%dma_start3A_1082, %multiple_of3A_648, %multiple_of3A_651] : memref<384x384x384xf32, #tpu.memory_space<hbm>> -> memref<1x64x64xf32, #tpu.memory_space<hbm>>
    %dma_start3A_1087 = tpu.memref_squeeze %dma_start3A_1086 : memref<1x64x64xf32, #tpu.memory_space<hbm>> -> memref<64x64xf32, #tpu.memory_space<hbm>>
    %dma_start3A_1088 = arith.constant 136 : i32
    %dma_start3A_1089 = arith.constant 0 : i32
    %dma_start3A_1090 = tpu.memref_slice %arg8[%dma_start3A_1088, %dma_start3A_1089] : memref<264x64xf32, #tpu.memory_space<vmem>> -> memref<64x64xf32, #tpu.memory_space<vmem>>
    %dma_start3A_1091 = tpu.memref_slice %arg2[%dma_start3A_1082, %multiple_of3A_648, %multiple_of3A_651] : memref<384x384x384xf32, #tpu.memory_space<hbm>> -> memref<1x64x64xf32, #tpu.memory_space<hbm>>
    %dma_start3A_1092 = tpu.memref_squeeze %dma_start3A_1091 : memref<1x64x64xf32, #tpu.memory_space<hbm>> -> memref<64x64xf32, #tpu.memory_space<hbm>>
    tpu.enqueue_dma source(%dma_start3A_1092 : memref<64x64xf32, #tpu.memory_space<hbm>>) target(%dma_start3A_1090 : memref<64x64xf32, #tpu.memory_space<vmem>>) target_semaphore(%arg10 : memref<!tpu.dma_semaphore, #tpu.memory_space<semaphore_mem>>)
    %dma_start3A_1093 = arith.constant 0 : i32
    %dma_start3A_1094 = arith.constant 200 : i32
    %dma_start3A_1095 = arith.constant 0 : i32
    %dma_start3A_1096 = tpu.memref_slice %arg8[%dma_start3A_1094, %dma_start3A_1095] : memref<264x64xf32, #tpu.memory_space<vmem>> -> memref<56x56xf32, #tpu.memory_space<vmem>>
    %dma_start3A_1097 = tpu.memref_slice %arg2[%dma_start3A_1093, %multiple_of3A_779, %multiple_of3A_782] : memref<384x384x384xf32, #tpu.memory_space<hbm>> -> memref<1x56x56xf32, #tpu.memory_space<hbm>>
    %dma_start3A_1098 = tpu.memref_squeeze %dma_start3A_1097 : memref<1x56x56xf32, #tpu.memory_space<hbm>> -> memref<56x56xf32, #tpu.memory_space<hbm>>
    %dma_start3A_1099 = arith.constant 200 : i32
    %dma_start3A_1100 = arith.constant 0 : i32
    %dma_start3A_1101 = tpu.memref_slice %arg8[%dma_start3A_1099, %dma_start3A_1100] : memref<264x64xf32, #tpu.memory_space<vmem>> -> memref<56x56xf32, #tpu.memory_space<vmem>>
    %dma_start3A_1102 = tpu.memref_slice %arg2[%dma_start3A_1093, %multiple_of3A_779, %multiple_of3A_782] : memref<384x384x384xf32, #tpu.memory_space<hbm>> -> memref<1x56x56xf32, #tpu.memory_space<hbm>>
    %dma_start3A_1103 = tpu.memref_squeeze %dma_start3A_1102 : memref<1x56x56xf32, #tpu.memory_space<hbm>> -> memref<56x56xf32, #tpu.memory_space<hbm>>
    tpu.enqueue_dma source(%dma_start3A_1103 : memref<56x56xf32, #tpu.memory_space<hbm>>) target(%dma_start3A_1101 : memref<56x56xf32, #tpu.memory_space<vmem>>) target_semaphore(%arg10 : memref<!tpu.dma_semaphore, #tpu.memory_space<semaphore_mem>>)
    %scan3A = arith.constant 0 : i32
    %scan3A_1104 = arith.constant 0 : i32
    %scan3A_1105 = arith.constant 192 : i32
    %scan3A_1106 = arith.addi %scan3A_1104, %scan3A_1105 : i32
    %scan3A_1107 = arith.constant 1 : i32
    scf.for %scan3A_1118 = %scan3A_1104 to %scan3A_1106 step %scan3A_1107  : i32 {
      %mul3A_1119 = arith.constant 2 : i32
      %mul3A_1120 = arith.muli %mul3A_1119, %scan3A_1118 : i32
      %dma_wait3A_1121 = arith.constant 0 : i32
      %dma_wait3A_1122 = arith.constant 0 : i32
      %dma_wait3A_1123 = tpu.memref_slice %arg8[%dma_wait3A_1121, %dma_wait3A_1122] : memref<264x64xf32, #tpu.memory_space<vmem>> -> memref<24x24xf32, #tpu.memory_space<vmem>>
      %dma_wait3A_1124 = tpu.memref_slice %arg2[%mul3A_1120, %multiple_of3A, %multiple_of3A_127] : memref<384x384x384xf32, #tpu.memory_space<hbm>> -> memref<1x24x24xf32, #tpu.memory_space<hbm>>
      %dma_wait3A_1125 = tpu.memref_squeeze %dma_wait3A_1124 : memref<1x24x24xf32, #tpu.memory_space<hbm>> -> memref<24x24xf32, #tpu.memory_space<hbm>>
      %dma_wait3A_1126 = arith.constant 0 : i32
      %dma_wait3A_1127 = arith.constant 0 : i32
      %dma_wait3A_1128 = tpu.memref_slice %arg8[%dma_wait3A_1126, %dma_wait3A_1127] : memref<264x64xf32, #tpu.memory_space<vmem>> -> memref<24x24xf32, #tpu.memory_space<vmem>>
      %dma_wait3A_1129 = tpu.memref_slice %arg2[%mul3A_1120, %multiple_of3A, %multiple_of3A_127] : memref<384x384x384xf32, #tpu.memory_space<hbm>> -> memref<1x24x24xf32, #tpu.memory_space<hbm>>
      %dma_wait3A_1130 = tpu.memref_squeeze %dma_wait3A_1129 : memref<1x24x24xf32, #tpu.memory_space<hbm>> -> memref<24x24xf32, #tpu.memory_space<hbm>>
      tpu.wait_dma2 semaphore(%arg10 : memref<!tpu.dma_semaphore, #tpu.memory_space<semaphore_mem>>) src(%dma_wait3A_1130 : memref<24x24xf32, #tpu.memory_space<hbm>>) dst(%dma_wait3A_1128 : memref<24x24xf32, #tpu.memory_space<vmem>>)
      %dma_wait3A_1131 = arith.constant 24 : i32
      %dma_wait3A_1132 = arith.constant 0 : i32
      %dma_wait3A_1133 = tpu.memref_slice %arg8[%dma_wait3A_1131, %dma_wait3A_1132] : memref<264x64xf32, #tpu.memory_space<vmem>> -> memref<24x24xf32, #tpu.memory_space<vmem>>
      %dma_wait3A_1134 = tpu.memref_slice %arg2[%mul3A_1120, %multiple_of3A_255, %multiple_of3A_258] : memref<384x384x384xf32, #tpu.memory_space<hbm>> -> memref<1x24x24xf32, #tpu.memory_space<hbm>>
      %dma_wait3A_1135 = tpu.memref_squeeze %dma_wait3A_1134 : memref<1x24x24xf32, #tpu.memory_space<hbm>> -> memref<24x24xf32, #tpu.memory_space<hbm>>
      %dma_wait3A_1136 = arith.constant 24 : i32
      %dma_wait3A_1137 = arith.constant 0 : i32
      %dma_wait3A_1138 = tpu.memref_slice %arg8[%dma_wait3A_1136, %dma_wait3A_1137] : memref<264x64xf32, #tpu.memory_space<vmem>> -> memref<24x24xf32, #tpu.memory_space<vmem>>
      %dma_wait3A_1139 = tpu.memref_slice %arg2[%mul3A_1120, %multiple_of3A_255, %multiple_of3A_258] : memref<384x384x384xf32, #tpu.memory_space<hbm>> -> memref<1x24x24xf32, #tpu.memory_space<hbm>>
      %dma_wait3A_1140 = tpu.memref_squeeze %dma_wait3A_1139 : memref<1x24x24xf32, #tpu.memory_space<hbm>> -> memref<24x24xf32, #tpu.memory_space<hbm>>
      tpu.wait_dma2 semaphore(%arg10 : memref<!tpu.dma_semaphore, #tpu.memory_space<semaphore_mem>>) src(%dma_wait3A_1140 : memref<24x24xf32, #tpu.memory_space<hbm>>) dst(%dma_wait3A_1138 : memref<24x24xf32, #tpu.memory_space<vmem>>)
      %dma_wait3A_1141 = arith.constant 48 : i32
      %dma_wait3A_1142 = arith.constant 0 : i32
      %dma_wait3A_1143 = tpu.memref_slice %arg8[%dma_wait3A_1141, %dma_wait3A_1142] : memref<264x64xf32, #tpu.memory_space<vmem>> -> memref<40x40xf32, #tpu.memory_space<vmem>>
      %dma_wait3A_1144 = tpu.memref_slice %arg2[%mul3A_1120, %multiple_of3A_386, %multiple_of3A_389] : memref<384x384x384xf32, #tpu.memory_space<hbm>> -> memref<1x40x40xf32, #tpu.memory_space<hbm>>
      %dma_wait3A_1145 = tpu.memref_squeeze %dma_wait3A_1144 : memref<1x40x40xf32, #tpu.memory_space<hbm>> -> memref<40x40xf32, #tpu.memory_space<hbm>>
      %dma_wait3A_1146 = arith.constant 48 : i32
      %dma_wait3A_1147 = arith.constant 0 : i32
      %dma_wait3A_1148 = tpu.memref_slice %arg8[%dma_wait3A_1146, %dma_wait3A_1147] : memref<264x64xf32, #tpu.memory_space<vmem>> -> memref<40x40xf32, #tpu.memory_space<vmem>>
      %dma_wait3A_1149 = tpu.memref_slice %arg2[%mul3A_1120, %multiple_of3A_386, %multiple_of3A_389] : memref<384x384x384xf32, #tpu.memory_space<hbm>> -> memref<1x40x40xf32, #tpu.memory_space<hbm>>
      %dma_wait3A_1150 = tpu.memref_squeeze %dma_wait3A_1149 : memref<1x40x40xf32, #tpu.memory_space<hbm>> -> memref<40x40xf32, #tpu.memory_space<hbm>>
      tpu.wait_dma2 semaphore(%arg10 : memref<!tpu.dma_semaphore, #tpu.memory_space<semaphore_mem>>) src(%dma_wait3A_1150 : memref<40x40xf32, #tpu.memory_space<hbm>>) dst(%dma_wait3A_1148 : memref<40x40xf32, #tpu.memory_space<vmem>>)
      %dma_wait3A_1151 = arith.constant 88 : i32
      %dma_wait3A_1152 = arith.constant 0 : i32
      %dma_wait3A_1153 = tpu.memref_slice %arg8[%dma_wait3A_1151, %dma_wait3A_1152] : memref<264x64xf32, #tpu.memory_space<vmem>> -> memref<48x48xf32, #tpu.memory_space<vmem>>
      %dma_wait3A_1154 = tpu.memref_slice %arg2[%mul3A_1120, %multiple_of3A_517, %multiple_of3A_520] : memref<384x384x384xf32, #tpu.memory_space<hbm>> -> memref<1x48x48xf32, #tpu.memory_space<hbm>>
      %dma_wait3A_1155 = tpu.memref_squeeze %dma_wait3A_1154 : memref<1x48x48xf32, #tpu.memory_space<hbm>> -> memref<48x48xf32, #tpu.memory_space<hbm>>
      %dma_wait3A_1156 = arith.constant 88 : i32
      %dma_wait3A_1157 = arith.constant 0 : i32
      %dma_wait3A_1158 = tpu.memref_slice %arg8[%dma_wait3A_1156, %dma_wait3A_1157] : memref<264x64xf32, #tpu.memory_space<vmem>> -> memref<48x48xf32, #tpu.memory_space<vmem>>
      %dma_wait3A_1159 = tpu.memref_slice %arg2[%mul3A_1120, %multiple_of3A_517, %multiple_of3A_520] : memref<384x384x384xf32, #tpu.memory_space<hbm>> -> memref<1x48x48xf32, #tpu.memory_space<hbm>>
      %dma_wait3A_1160 = tpu.memref_squeeze %dma_wait3A_1159 : memref<1x48x48xf32, #tpu.memory_space<hbm>> -> memref<48x48xf32, #tpu.memory_space<hbm>>
      tpu.wait_dma2 semaphore(%arg10 : memref<!tpu.dma_semaphore, #tpu.memory_space<semaphore_mem>>) src(%dma_wait3A_1160 : memref<48x48xf32, #tpu.memory_space<hbm>>) dst(%dma_wait3A_1158 : memref<48x48xf32, #tpu.memory_space<vmem>>)
      %dma_wait3A_1161 = arith.constant 136 : i32
      %dma_wait3A_1162 = arith.constant 0 : i32
      %dma_wait3A_1163 = tpu.memref_slice %arg8[%dma_wait3A_1161, %dma_wait3A_1162] : memref<264x64xf32, #tpu.memory_space<vmem>> -> memref<64x64xf32, #tpu.memory_space<vmem>>
      %dma_wait3A_1164 = tpu.memref_slice %arg2[%mul3A_1120, %multiple_of3A_648, %multiple_of3A_651] : memref<384x384x384xf32, #tpu.memory_space<hbm>> -> memref<1x64x64xf32, #tpu.memory_space<hbm>>
      %dma_wait3A_1165 = tpu.memref_squeeze %dma_wait3A_1164 : memref<1x64x64xf32, #tpu.memory_space<hbm>> -> memref<64x64xf32, #tpu.memory_space<hbm>>
      %dma_wait3A_1166 = arith.constant 136 : i32
      %dma_wait3A_1167 = arith.constant 0 : i32
      %dma_wait3A_1168 = tpu.memref_slice %arg8[%dma_wait3A_1166, %dma_wait3A_1167] : memref<264x64xf32, #tpu.memory_space<vmem>> -> memref<64x64xf32, #tpu.memory_space<vmem>>
      %dma_wait3A_1169 = tpu.memref_slice %arg2[%mul3A_1120, %multiple_of3A_648, %multiple_of3A_651] : memref<384x384x384xf32, #tpu.memory_space<hbm>> -> memref<1x64x64xf32, #tpu.memory_space<hbm>>
      %dma_wait3A_1170 = tpu.memref_squeeze %dma_wait3A_1169 : memref<1x64x64xf32, #tpu.memory_space<hbm>> -> memref<64x64xf32, #tpu.memory_space<hbm>>
      tpu.wait_dma2 semaphore(%arg10 : memref<!tpu.dma_semaphore, #tpu.memory_space<semaphore_mem>>) src(%dma_wait3A_1170 : memref<64x64xf32, #tpu.memory_space<hbm>>) dst(%dma_wait3A_1168 : memref<64x64xf32, #tpu.memory_space<vmem>>)
      %dma_wait3A_1171 = arith.constant 200 : i32
      %dma_wait3A_1172 = arith.constant 0 : i32
      %dma_wait3A_1173 = tpu.memref_slice %arg8[%dma_wait3A_1171, %dma_wait3A_1172] : memref<264x64xf32, #tpu.memory_space<vmem>> -> memref<56x56xf32, #tpu.memory_space<vmem>>
      %dma_wait3A_1174 = tpu.memref_slice %arg2[%mul3A_1120, %multiple_of3A_779, %multiple_of3A_782] : memref<384x384x384xf32, #tpu.memory_space<hbm>> -> memref<1x56x56xf32, #tpu.memory_space<hbm>>
      %dma_wait3A_1175 = tpu.memref_squeeze %dma_wait3A_1174 : memref<1x56x56xf32, #tpu.memory_space<hbm>> -> memref<56x56xf32, #tpu.memory_space<hbm>>
      %dma_wait3A_1176 = arith.constant 200 : i32
      %dma_wait3A_1177 = arith.constant 0 : i32
      %dma_wait3A_1178 = tpu.memref_slice %arg8[%dma_wait3A_1176, %dma_wait3A_1177] : memref<264x64xf32, #tpu.memory_space<vmem>> -> memref<56x56xf32, #tpu.memory_space<vmem>>
      %dma_wait3A_1179 = tpu.memref_slice %arg2[%mul3A_1120, %multiple_of3A_779, %multiple_of3A_782] : memref<384x384x384xf32, #tpu.memory_space<hbm>> -> memref<1x56x56xf32, #tpu.memory_space<hbm>>
      %dma_wait3A_1180 = tpu.memref_squeeze %dma_wait3A_1179 : memref<1x56x56xf32, #tpu.memory_space<hbm>> -> memref<56x56xf32, #tpu.memory_space<hbm>>
      tpu.wait_dma2 semaphore(%arg10 : memref<!tpu.dma_semaphore, #tpu.memory_space<semaphore_mem>>) src(%dma_wait3A_1180 : memref<56x56xf32, #tpu.memory_space<hbm>>) dst(%dma_wait3A_1178 : memref<56x56xf32, #tpu.memory_space<vmem>>)
      %add3A_1181 = arith.constant 1 : i32
      %add3A_1182 = arith.addi %mul3A_1120, %add3A_1181 : i32
      %lt3A = arith.constant 384 : i32
      %lt3A_1183 = arith.cmpi slt, %add3A_1182, %lt3A : i32
      %convert_element_type3A = arith.extui %lt3A_1183 : i1 to i32
      %cond3A = arith.constant 0 : i32
      %cond3A_1184 = arith.cmpi ne, %convert_element_type3A, %cond3A : i32
      scf.if %cond3A_1184 {
        %add3A_1278 = arith.constant 1 : i32
        %add3A_1279 = arith.addi %mul3A_1120, %add3A_1278 : i32
        %dma_start3A_1280 = arith.constant 0 : i32
        %dma_start3A_1281 = arith.constant 0 : i32
        %dma_start3A_1282 = tpu.memref_slice %arg9[%dma_start3A_1280, %dma_start3A_1281] : memref<264x64xf32, #tpu.memory_space<vmem>> -> memref<24x24xf32, #tpu.memory_space<vmem>>
        %dma_start3A_1283 = tpu.memref_slice %arg2[%add3A_1279, %multiple_of3A, %multiple_of3A_127] : memref<384x384x384xf32, #tpu.memory_space<hbm>> -> memref<1x24x24xf32, #tpu.memory_space<hbm>>
        %dma_start3A_1284 = tpu.memref_squeeze %dma_start3A_1283 : memref<1x24x24xf32, #tpu.memory_space<hbm>> -> memref<24x24xf32, #tpu.memory_space<hbm>>
        %dma_start3A_1285 = arith.constant 0 : i32
        %dma_start3A_1286 = arith.constant 0 : i32
        %dma_start3A_1287 = tpu.memref_slice %arg9[%dma_start3A_1285, %dma_start3A_1286] : memref<264x64xf32, #tpu.memory_space<vmem>> -> memref<24x24xf32, #tpu.memory_space<vmem>>
        %dma_start3A_1288 = tpu.memref_slice %arg2[%add3A_1279, %multiple_of3A, %multiple_of3A_127] : memref<384x384x384xf32, #tpu.memory_space<hbm>> -> memref<1x24x24xf32, #tpu.memory_space<hbm>>
        %dma_start3A_1289 = tpu.memref_squeeze %dma_start3A_1288 : memref<1x24x24xf32, #tpu.memory_space<hbm>> -> memref<24x24xf32, #tpu.memory_space<hbm>>
        tpu.enqueue_dma source(%dma_start3A_1289 : memref<24x24xf32, #tpu.memory_space<hbm>>) target(%dma_start3A_1287 : memref<24x24xf32, #tpu.memory_space<vmem>>) target_semaphore(%arg11 : memref<!tpu.dma_semaphore, #tpu.memory_space<semaphore_mem>>)
        %add3A_1290 = arith.constant 1 : i32
        %add3A_1291 = arith.addi %mul3A_1120, %add3A_1290 : i32
        %dma_start3A_1292 = arith.constant 24 : i32
        %dma_start3A_1293 = arith.constant 0 : i32
        %dma_start3A_1294 = tpu.memref_slice %arg9[%dma_start3A_1292, %dma_start3A_1293] : memref<264x64xf32, #tpu.memory_space<vmem>> -> memref<24x24xf32, #tpu.memory_space<vmem>>
        %dma_start3A_1295 = tpu.memref_slice %arg2[%add3A_1291, %multiple_of3A_255, %multiple_of3A_258] : memref<384x384x384xf32, #tpu.memory_space<hbm>> -> memref<1x24x24xf32, #tpu.memory_space<hbm>>
        %dma_start3A_1296 = tpu.memref_squeeze %dma_start3A_1295 : memref<1x24x24xf32, #tpu.memory_space<hbm>> -> memref<24x24xf32, #tpu.memory_space<hbm>>
        %dma_start3A_1297 = arith.constant 24 : i32
        %dma_start3A_1298 = arith.constant 0 : i32
        %dma_start3A_1299 = tpu.memref_slice %arg9[%dma_start3A_1297, %dma_start3A_1298] : memref<264x64xf32, #tpu.memory_space<vmem>> -> memref<24x24xf32, #tpu.memory_space<vmem>>
        %dma_start3A_1300 = tpu.memref_slice %arg2[%add3A_1291, %multiple_of3A_255, %multiple_of3A_258] : memref<384x384x384xf32, #tpu.memory_space<hbm>> -> memref<1x24x24xf32, #tpu.memory_space<hbm>>
        %dma_start3A_1301 = tpu.memref_squeeze %dma_start3A_1300 : memref<1x24x24xf32, #tpu.memory_space<hbm>> -> memref<24x24xf32, #tpu.memory_space<hbm>>
        tpu.enqueue_dma source(%dma_start3A_1301 : memref<24x24xf32, #tpu.memory_space<hbm>>) target(%dma_start3A_1299 : memref<24x24xf32, #tpu.memory_space<vmem>>) target_semaphore(%arg11 : memref<!tpu.dma_semaphore, #tpu.memory_space<semaphore_mem>>)
        %add3A_1302 = arith.constant 1 : i32
        %add3A_1303 = arith.addi %mul3A_1120, %add3A_1302 : i32
        %dma_start3A_1304 = arith.constant 48 : i32
        %dma_start3A_1305 = arith.constant 0 : i32
        %dma_start3A_1306 = tpu.memref_slice %arg9[%dma_start3A_1304, %dma_start3A_1305] : memref<264x64xf32, #tpu.memory_space<vmem>> -> memref<40x40xf32, #tpu.memory_space<vmem>>
        %dma_start3A_1307 = tpu.memref_slice %arg2[%add3A_1303, %multiple_of3A_386, %multiple_of3A_389] : memref<384x384x384xf32, #tpu.memory_space<hbm>> -> memref<1x40x40xf32, #tpu.memory_space<hbm>>
        %dma_start3A_1308 = tpu.memref_squeeze %dma_start3A_1307 : memref<1x40x40xf32, #tpu.memory_space<hbm>> -> memref<40x40xf32, #tpu.memory_space<hbm>>
        %dma_start3A_1309 = arith.constant 48 : i32
        %dma_start3A_1310 = arith.constant 0 : i32
        %dma_start3A_1311 = tpu.memref_slice %arg9[%dma_start3A_1309, %dma_start3A_1310] : memref<264x64xf32, #tpu.memory_space<vmem>> -> memref<40x40xf32, #tpu.memory_space<vmem>>
        %dma_start3A_1312 = tpu.memref_slice %arg2[%add3A_1303, %multiple_of3A_386, %multiple_of3A_389] : memref<384x384x384xf32, #tpu.memory_space<hbm>> -> memref<1x40x40xf32, #tpu.memory_space<hbm>>
        %dma_start3A_1313 = tpu.memref_squeeze %dma_start3A_1312 : memref<1x40x40xf32, #tpu.memory_space<hbm>> -> memref<40x40xf32, #tpu.memory_space<hbm>>
        tpu.enqueue_dma source(%dma_start3A_1313 : memref<40x40xf32, #tpu.memory_space<hbm>>) target(%dma_start3A_1311 : memref<40x40xf32, #tpu.memory_space<vmem>>) target_semaphore(%arg11 : memref<!tpu.dma_semaphore, #tpu.memory_space<semaphore_mem>>)
        %add3A_1314 = arith.constant 1 : i32
        %add3A_1315 = arith.addi %mul3A_1120, %add3A_1314 : i32
        %dma_start3A_1316 = arith.constant 88 : i32
        %dma_start3A_1317 = arith.constant 0 : i32
        %dma_start3A_1318 = tpu.memref_slice %arg9[%dma_start3A_1316, %dma_start3A_1317] : memref<264x64xf32, #tpu.memory_space<vmem>> -> memref<48x48xf32, #tpu.memory_space<vmem>>
        %dma_start3A_1319 = tpu.memref_slice %arg2[%add3A_1315, %multiple_of3A_517, %multiple_of3A_520] : memref<384x384x384xf32, #tpu.memory_space<hbm>> -> memref<1x48x48xf32, #tpu.memory_space<hbm>>
        %dma_start3A_1320 = tpu.memref_squeeze %dma_start3A_1319 : memref<1x48x48xf32, #tpu.memory_space<hbm>> -> memref<48x48xf32, #tpu.memory_space<hbm>>
        %dma_start3A_1321 = arith.constant 88 : i32
        %dma_start3A_1322 = arith.constant 0 : i32
        %dma_start3A_1323 = tpu.memref_slice %arg9[%dma_start3A_1321, %dma_start3A_1322] : memref<264x64xf32, #tpu.memory_space<vmem>> -> memref<48x48xf32, #tpu.memory_space<vmem>>
        %dma_start3A_1324 = tpu.memref_slice %arg2[%add3A_1315, %multiple_of3A_517, %multiple_of3A_520] : memref<384x384x384xf32, #tpu.memory_space<hbm>> -> memref<1x48x48xf32, #tpu.memory_space<hbm>>
        %dma_start3A_1325 = tpu.memref_squeeze %dma_start3A_1324 : memref<1x48x48xf32, #tpu.memory_space<hbm>> -> memref<48x48xf32, #tpu.memory_space<hbm>>
        tpu.enqueue_dma source(%dma_start3A_1325 : memref<48x48xf32, #tpu.memory_space<hbm>>) target(%dma_start3A_1323 : memref<48x48xf32, #tpu.memory_space<vmem>>) target_semaphore(%arg11 : memref<!tpu.dma_semaphore, #tpu.memory_space<semaphore_mem>>)
        %add3A_1326 = arith.constant 1 : i32
        %add3A_1327 = arith.addi %mul3A_1120, %add3A_1326 : i32
        %dma_start3A_1328 = arith.constant 136 : i32
        %dma_start3A_1329 = arith.constant 0 : i32
        %dma_start3A_1330 = tpu.memref_slice %arg9[%dma_start3A_1328, %dma_start3A_1329] : memref<264x64xf32, #tpu.memory_space<vmem>> -> memref<64x64xf32, #tpu.memory_space<vmem>>
        %dma_start3A_1331 = tpu.memref_slice %arg2[%add3A_1327, %multiple_of3A_648, %multiple_of3A_651] : memref<384x384x384xf32, #tpu.memory_space<hbm>> -> memref<1x64x64xf32, #tpu.memory_space<hbm>>
        %dma_start3A_1332 = tpu.memref_squeeze %dma_start3A_1331 : memref<1x64x64xf32, #tpu.memory_space<hbm>> -> memref<64x64xf32, #tpu.memory_space<hbm>>
        %dma_start3A_1333 = arith.constant 136 : i32
        %dma_start3A_1334 = arith.constant 0 : i32
        %dma_start3A_1335 = tpu.memref_slice %arg9[%dma_start3A_1333, %dma_start3A_1334] : memref<264x64xf32, #tpu.memory_space<vmem>> -> memref<64x64xf32, #tpu.memory_space<vmem>>
        %dma_start3A_1336 = tpu.memref_slice %arg2[%add3A_1327, %multiple_of3A_648, %multiple_of3A_651] : memref<384x384x384xf32, #tpu.memory_space<hbm>> -> memref<1x64x64xf32, #tpu.memory_space<hbm>>
        %dma_start3A_1337 = tpu.memref_squeeze %dma_start3A_1336 : memref<1x64x64xf32, #tpu.memory_space<hbm>> -> memref<64x64xf32, #tpu.memory_space<hbm>>
        tpu.enqueue_dma source(%dma_start3A_1337 : memref<64x64xf32, #tpu.memory_space<hbm>>) target(%dma_start3A_1335 : memref<64x64xf32, #tpu.memory_space<vmem>>) target_semaphore(%arg11 : memref<!tpu.dma_semaphore, #tpu.memory_space<semaphore_mem>>)
        %add3A_1338 = arith.constant 1 : i32
        %add3A_1339 = arith.addi %mul3A_1120, %add3A_1338 : i32
        %dma_start3A_1340 = arith.constant 200 : i32
        %dma_start3A_1341 = arith.constant 0 : i32
        %dma_start3A_1342 = tpu.memref_slice %arg9[%dma_start3A_1340, %dma_start3A_1341] : memref<264x64xf32, #tpu.memory_space<vmem>> -> memref<56x56xf32, #tpu.memory_space<vmem>>
        %dma_start3A_1343 = tpu.memref_slice %arg2[%add3A_1339, %multiple_of3A_779, %multiple_of3A_782] : memref<384x384x384xf32, #tpu.memory_space<hbm>> -> memref<1x56x56xf32, #tpu.memory_space<hbm>>
        %dma_start3A_1344 = tpu.memref_squeeze %dma_start3A_1343 : memref<1x56x56xf32, #tpu.memory_space<hbm>> -> memref<56x56xf32, #tpu.memory_space<hbm>>
        %dma_start3A_1345 = arith.constant 200 : i32
        %dma_start3A_1346 = arith.constant 0 : i32
        %dma_start3A_1347 = tpu.memref_slice %arg9[%dma_start3A_1345, %dma_start3A_1346] : memref<264x64xf32, #tpu.memory_space<vmem>> -> memref<56x56xf32, #tpu.memory_space<vmem>>
        %dma_start3A_1348 = tpu.memref_slice %arg2[%add3A_1339, %multiple_of3A_779, %multiple_of3A_782] : memref<384x384x384xf32, #tpu.memory_space<hbm>> -> memref<1x56x56xf32, #tpu.memory_space<hbm>>
        %dma_start3A_1349 = tpu.memref_squeeze %dma_start3A_1348 : memref<1x56x56xf32, #tpu.memory_space<hbm>> -> memref<56x56xf32, #tpu.memory_space<hbm>>
        tpu.enqueue_dma source(%dma_start3A_1349 : memref<56x56xf32, #tpu.memory_space<hbm>>) target(%dma_start3A_1347 : memref<56x56xf32, #tpu.memory_space<vmem>>) target_semaphore(%arg11 : memref<!tpu.dma_semaphore, #tpu.memory_space<semaphore_mem>>)
      } else {
      }
      %gt3A = arith.constant 0 : i32
      %gt3A_1185 = arith.cmpi sgt, %scan3A_1118, %gt3A : i32
      %convert_element_type3A_1186 = arith.extui %gt3A_1185 : i1 to i32
      %cond3A_1187 = arith.constant 0 : i32
      %cond3A_1188 = arith.cmpi ne, %convert_element_type3A_1186, %cond3A_1187 : i32
      scf.if %cond3A_1188 {
        %dma_wait3A_1278 = tpu.memref_slice %arg4[%mul3A_1120, %mul3A_2] : memref<384x147456xf32, #tpu.memory_space<hbm>> -> memref<1x4608xf32, #tpu.memory_space<hbm>>
        %dma_wait3A_1279 = tpu.memref_squeeze %dma_wait3A_1278 : memref<1x4608xf32, #tpu.memory_space<hbm>> -> memref<4608xf32, #tpu.memory_space<hbm>>
        %dma_wait3A_1280 = tpu.memref_slice %arg4[%mul3A_1120, %mul3A_2] : memref<384x147456xf32, #tpu.memory_space<hbm>> -> memref<1x4608xf32, #tpu.memory_space<hbm>>
        %dma_wait3A_1281 = tpu.memref_squeeze %dma_wait3A_1280 : memref<1x4608xf32, #tpu.memory_space<hbm>> -> memref<4608xf32, #tpu.memory_space<hbm>>
        tpu.wait_dma2 semaphore(%arg12 : memref<!tpu.dma_semaphore, #tpu.memory_space<semaphore_mem>>) src(%arg6 : memref<4608xf32, #tpu.memory_space<vmem>>) dst(%dma_wait3A_1281 : memref<4608xf32, #tpu.memory_space<hbm>>)
      } else {
      }
      %parallel_loop3A = arith.constant 0 : i32
      %parallel_loop3A_1189 = arith.constant 288 : i32
      %parallel_loop3A_1190 = arith.constant 1 : i32
      scf.for %parallel_loop3A_1278 = %parallel_loop3A to %parallel_loop3A_1189 step %parallel_loop3A_1190  : i32 {
        %parallel_loop3A_1279 = arith.constant 16 : i32
        %parallel_loop3A_1280 = arith.muli %parallel_loop3A_1278, %parallel_loop3A_1279 : i32
        %parallel_loop3A_1281 = arith.index_cast %parallel_loop3A_1280 : i32 to index
        %parallel_loop3A_1282 = tpu.vector_load %arg5[%parallel_loop3A_1281] {strides = array<i32>} : memref<4608xi32, #tpu.memory_space<vmem>>, vector<16xi32>,
        %parallel_loop3A_1283 = arith.constant 15 : i32
        %parallel_loop3A_1284 = vector.broadcast %parallel_loop3A_1283 : i32 to vector<16xi32>
        %parallel_loop3A_1285 = arith.shrui %parallel_loop3A_1282, %parallel_loop3A_1284 : vector<16xi32>
        %parallel_loop3A_1286 = arith.constant 32767 : i32
        %parallel_loop3A_1287 = vector.broadcast %parallel_loop3A_1286 : i32 to vector<16xi32>
        %parallel_loop3A_1288 = arith.andi %parallel_loop3A_1282, %parallel_loop3A_1287 : vector<16xi32>
        %parallel_loop3A_1289 = arith.constant 6 : i32
        %parallel_loop3A_1290 = vector.broadcast %parallel_loop3A_1289 : i32 to vector<16xi32>
        %parallel_loop3A_1291 = arith.shrui %parallel_loop3A_1288, %parallel_loop3A_1290 : vector<16xi32>
        %parallel_loop3A_1292 = arith.constant 63 : i32
        %parallel_loop3A_1293 = vector.broadcast %parallel_loop3A_1292 : i32 to vector<16xi32>
        %parallel_loop3A_1294 = arith.andi %parallel_loop3A_1288, %parallel_loop3A_1293 : vector<16xi32>
        %parallel_loop3A_1295 = tpu.vector_load_idx %arg8[%parallel_loop3A_1291, %parallel_loop3A_1294] : memref<264x64xf32, #tpu.memory_space<vmem>>[vector<16xi32>, vector<16xi32>], vector<16xf32>,
        tpu.vector_store_idx %arg6[%parallel_loop3A_1285], %parallel_loop3A_1295 : memref<4608xf32, #tpu.memory_space<vmem>>[vector<16xi32>], vector<16xf32>,
      } {sc.loop_unroll_factor = 8 : i64, sc.parallel_access}
      %dma_start3A_1191 = tpu.memref_slice %arg4[%mul3A_1120, %mul3A_2] : memref<384x147456xf32, #tpu.memory_space<hbm>> -> memref<1x4608xf32, #tpu.memory_space<hbm>>
      %dma_start3A_1192 = tpu.memref_squeeze %dma_start3A_1191 : memref<1x4608xf32, #tpu.memory_space<hbm>> -> memref<4608xf32, #tpu.memory_space<hbm>>
      %dma_start3A_1193 = tpu.memref_slice %arg4[%mul3A_1120, %mul3A_2] : memref<384x147456xf32, #tpu.memory_space<hbm>> -> memref<1x4608xf32, #tpu.memory_space<hbm>>
      %dma_start3A_1194 = tpu.memref_squeeze %dma_start3A_1193 : memref<1x4608xf32, #tpu.memory_space<hbm>> -> memref<4608xf32, #tpu.memory_space<hbm>>
      tpu.enqueue_dma source(%arg6 : memref<4608xf32, #tpu.memory_space<vmem>>) target(%dma_start3A_1194 : memref<4608xf32, #tpu.memory_space<hbm>>) target_semaphore(%arg12 : memref<!tpu.dma_semaphore, #tpu.memory_space<semaphore_mem>>)
      %mul3A_1195 = arith.constant 2 : i32
      %mul3A_1196 = arith.muli %mul3A_1195, %scan3A_1118 : i32
      %add3A_1197 = arith.constant 1 : i32
      %add3A_1198 = arith.addi %mul3A_1196, %add3A_1197 : i32
      %dma_wait3A_1199 = arith.constant 0 : i32
      %dma_wait3A_1200 = arith.constant 0 : i32
      %dma_wait3A_1201 = tpu.memref_slice %arg9[%dma_wait3A_1199, %dma_wait3A_1200] : memref<264x64xf32, #tpu.memory_space<vmem>> -> memref<24x24xf32, #tpu.memory_space<vmem>>
      %dma_wait3A_1202 = tpu.memref_slice %arg2[%add3A_1198, %multiple_of3A, %multiple_of3A_127] : memref<384x384x384xf32, #tpu.memory_space<hbm>> -> memref<1x24x24xf32, #tpu.memory_space<hbm>>
      %dma_wait3A_1203 = tpu.memref_squeeze %dma_wait3A_1202 : memref<1x24x24xf32, #tpu.memory_space<hbm>> -> memref<24x24xf32, #tpu.memory_space<hbm>>
      %dma_wait3A_1204 = arith.constant 0 : i32
      %dma_wait3A_1205 = arith.constant 0 : i32
      %dma_wait3A_1206 = tpu.memref_slice %arg9[%dma_wait3A_1204, %dma_wait3A_1205] : memref<264x64xf32, #tpu.memory_space<vmem>> -> memref<24x24xf32, #tpu.memory_space<vmem>>
      %dma_wait3A_1207 = tpu.memref_slice %arg2[%add3A_1198, %multiple_of3A, %multiple_of3A_127] : memref<384x384x384xf32, #tpu.memory_space<hbm>> -> memref<1x24x24xf32, #tpu.memory_space<hbm>>
      %dma_wait3A_1208 = tpu.memref_squeeze %dma_wait3A_1207 : memref<1x24x24xf32, #tpu.memory_space<hbm>> -> memref<24x24xf32, #tpu.memory_space<hbm>>
      tpu.wait_dma2 semaphore(%arg11 : memref<!tpu.dma_semaphore, #tpu.memory_space<semaphore_mem>>) src(%dma_wait3A_1208 : memref<24x24xf32, #tpu.memory_space<hbm>>) dst(%dma_wait3A_1206 : memref<24x24xf32, #tpu.memory_space<vmem>>)
      %dma_wait3A_1209 = arith.constant 24 : i32
      %dma_wait3A_1210 = arith.constant 0 : i32
      %dma_wait3A_1211 = tpu.memref_slice %arg9[%dma_wait3A_1209, %dma_wait3A_1210] : memref<264x64xf32, #tpu.memory_space<vmem>> -> memref<24x24xf32, #tpu.memory_space<vmem>>
      %dma_wait3A_1212 = tpu.memref_slice %arg2[%add3A_1198, %multiple_of3A_255, %multiple_of3A_258] : memref<384x384x384xf32, #tpu.memory_space<hbm>> -> memref<1x24x24xf32, #tpu.memory_space<hbm>>
      %dma_wait3A_1213 = tpu.memref_squeeze %dma_wait3A_1212 : memref<1x24x24xf32, #tpu.memory_space<hbm>> -> memref<24x24xf32, #tpu.memory_space<hbm>>
      %dma_wait3A_1214 = arith.constant 24 : i32
      %dma_wait3A_1215 = arith.constant 0 : i32
      %dma_wait3A_1216 = tpu.memref_slice %arg9[%dma_wait3A_1214, %dma_wait3A_1215] : memref<264x64xf32, #tpu.memory_space<vmem>> -> memref<24x24xf32, #tpu.memory_space<vmem>>
      %dma_wait3A_1217 = tpu.memref_slice %arg2[%add3A_1198, %multiple_of3A_255, %multiple_of3A_258] : memref<384x384x384xf32, #tpu.memory_space<hbm>> -> memref<1x24x24xf32, #tpu.memory_space<hbm>>
      %dma_wait3A_1218 = tpu.memref_squeeze %dma_wait3A_1217 : memref<1x24x24xf32, #tpu.memory_space<hbm>> -> memref<24x24xf32, #tpu.memory_space<hbm>>
      tpu.wait_dma2 semaphore(%arg11 : memref<!tpu.dma_semaphore, #tpu.memory_space<semaphore_mem>>) src(%dma_wait3A_1218 : memref<24x24xf32, #tpu.memory_space<hbm>>) dst(%dma_wait3A_1216 : memref<24x24xf32, #tpu.memory_space<vmem>>)
      %dma_wait3A_1219 = arith.constant 48 : i32
      %dma_wait3A_1220 = arith.constant 0 : i32
      %dma_wait3A_1221 = tpu.memref_slice %arg9[%dma_wait3A_1219, %dma_wait3A_1220] : memref<264x64xf32, #tpu.memory_space<vmem>> -> memref<40x40xf32, #tpu.memory_space<vmem>>
      %dma_wait3A_1222 = tpu.memref_slice %arg2[%add3A_1198, %multiple_of3A_386, %multiple_of3A_389] : memref<384x384x384xf32, #tpu.memory_space<hbm>> -> memref<1x40x40xf32, #tpu.memory_space<hbm>>
      %dma_wait3A_1223 = tpu.memref_squeeze %dma_wait3A_1222 : memref<1x40x40xf32, #tpu.memory_space<hbm>> -> memref<40x40xf32, #tpu.memory_space<hbm>>
      %dma_wait3A_1224 = arith.constant 48 : i32
      %dma_wait3A_1225 = arith.constant 0 : i32
      %dma_wait3A_1226 = tpu.memref_slice %arg9[%dma_wait3A_1224, %dma_wait3A_1225] : memref<264x64xf32, #tpu.memory_space<vmem>> -> memref<40x40xf32, #tpu.memory_space<vmem>>
      %dma_wait3A_1227 = tpu.memref_slice %arg2[%add3A_1198, %multiple_of3A_386, %multiple_of3A_389] : memref<384x384x384xf32, #tpu.memory_space<hbm>> -> memref<1x40x40xf32, #tpu.memory_space<hbm>>
      %dma_wait3A_1228 = tpu.memref_squeeze %dma_wait3A_1227 : memref<1x40x40xf32, #tpu.memory_space<hbm>> -> memref<40x40xf32, #tpu.memory_space<hbm>>
      tpu.wait_dma2 semaphore(%arg11 : memref<!tpu.dma_semaphore, #tpu.memory_space<semaphore_mem>>) src(%dma_wait3A_1228 : memref<40x40xf32, #tpu.memory_space<hbm>>) dst(%dma_wait3A_1226 : memref<40x40xf32, #tpu.memory_space<vmem>>)
      %dma_wait3A_1229 = arith.constant 88 : i32
      %dma_wait3A_1230 = arith.constant 0 : i32
      %dma_wait3A_1231 = tpu.memref_slice %arg9[%dma_wait3A_1229, %dma_wait3A_1230] : memref<264x64xf32, #tpu.memory_space<vmem>> -> memref<48x48xf32, #tpu.memory_space<vmem>>
      %dma_wait3A_1232 = tpu.memref_slice %arg2[%add3A_1198, %multiple_of3A_517, %multiple_of3A_520] : memref<384x384x384xf32, #tpu.memory_space<hbm>> -> memref<1x48x48xf32, #tpu.memory_space<hbm>>
      %dma_wait3A_1233 = tpu.memref_squeeze %dma_wait3A_1232 : memref<1x48x48xf32, #tpu.memory_space<hbm>> -> memref<48x48xf32, #tpu.memory_space<hbm>>
      %dma_wait3A_1234 = arith.constant 88 : i32
      %dma_wait3A_1235 = arith.constant 0 : i32
      %dma_wait3A_1236 = tpu.memref_slice %arg9[%dma_wait3A_1234, %dma_wait3A_1235] : memref<264x64xf32, #tpu.memory_space<vmem>> -> memref<48x48xf32, #tpu.memory_space<vmem>>
      %dma_wait3A_1237 = tpu.memref_slice %arg2[%add3A_1198, %multiple_of3A_517, %multiple_of3A_520] : memref<384x384x384xf32, #tpu.memory_space<hbm>> -> memref<1x48x48xf32, #tpu.memory_space<hbm>>
      %dma_wait3A_1238 = tpu.memref_squeeze %dma_wait3A_1237 : memref<1x48x48xf32, #tpu.memory_space<hbm>> -> memref<48x48xf32, #tpu.memory_space<hbm>>
      tpu.wait_dma2 semaphore(%arg11 : memref<!tpu.dma_semaphore, #tpu.memory_space<semaphore_mem>>) src(%dma_wait3A_1238 : memref<48x48xf32, #tpu.memory_space<hbm>>) dst(%dma_wait3A_1236 : memref<48x48xf32, #tpu.memory_space<vmem>>)
      %dma_wait3A_1239 = arith.constant 136 : i32
      %dma_wait3A_1240 = arith.constant 0 : i32
      %dma_wait3A_1241 = tpu.memref_slice %arg9[%dma_wait3A_1239, %dma_wait3A_1240] : memref<264x64xf32, #tpu.memory_space<vmem>> -> memref<64x64xf32, #tpu.memory_space<vmem>>
      %dma_wait3A_1242 = tpu.memref_slice %arg2[%add3A_1198, %multiple_of3A_648, %multiple_of3A_651] : memref<384x384x384xf32, #tpu.memory_space<hbm>> -> memref<1x64x64xf32, #tpu.memory_space<hbm>>
      %dma_wait3A_1243 = tpu.memref_squeeze %dma_wait3A_1242 : memref<1x64x64xf32, #tpu.memory_space<hbm>> -> memref<64x64xf32, #tpu.memory_space<hbm>>
      %dma_wait3A_1244 = arith.constant 136 : i32
      %dma_wait3A_1245 = arith.constant 0 : i32
      %dma_wait3A_1246 = tpu.memref_slice %arg9[%dma_wait3A_1244, %dma_wait3A_1245] : memref<264x64xf32, #tpu.memory_space<vmem>> -> memref<64x64xf32, #tpu.memory_space<vmem>>
      %dma_wait3A_1247 = tpu.memref_slice %arg2[%add3A_1198, %multiple_of3A_648, %multiple_of3A_651] : memref<384x384x384xf32, #tpu.memory_space<hbm>> -> memref<1x64x64xf32, #tpu.memory_space<hbm>>
      %dma_wait3A_1248 = tpu.memref_squeeze %dma_wait3A_1247 : memref<1x64x64xf32, #tpu.memory_space<hbm>> -> memref<64x64xf32, #tpu.memory_space<hbm>>
      tpu.wait_dma2 semaphore(%arg11 : memref<!tpu.dma_semaphore, #tpu.memory_space<semaphore_mem>>) src(%dma_wait3A_1248 : memref<64x64xf32, #tpu.memory_space<hbm>>) dst(%dma_wait3A_1246 : memref<64x64xf32, #tpu.memory_space<vmem>>)
      %dma_wait3A_1249 = arith.constant 200 : i32
      %dma_wait3A_1250 = arith.constant 0 : i32
      %dma_wait3A_1251 = tpu.memref_slice %arg9[%dma_wait3A_1249, %dma_wait3A_1250] : memref<264x64xf32, #tpu.memory_space<vmem>> -> memref<56x56xf32, #tpu.memory_space<vmem>>
      %dma_wait3A_1252 = tpu.memref_slice %arg2[%add3A_1198, %multiple_of3A_779, %multiple_of3A_782] : memref<384x384x384xf32, #tpu.memory_space<hbm>> -> memref<1x56x56xf32, #tpu.memory_space<hbm>>
      %dma_wait3A_1253 = tpu.memref_squeeze %dma_wait3A_1252 : memref<1x56x56xf32, #tpu.memory_space<hbm>> -> memref<56x56xf32, #tpu.memory_space<hbm>>
      %dma_wait3A_1254 = arith.constant 200 : i32
      %dma_wait3A_1255 = arith.constant 0 : i32
      %dma_wait3A_1256 = tpu.memref_slice %arg9[%dma_wait3A_1254, %dma_wait3A_1255] : memref<264x64xf32, #tpu.memory_space<vmem>> -> memref<56x56xf32, #tpu.memory_space<vmem>>
      %dma_wait3A_1257 = tpu.memref_slice %arg2[%add3A_1198, %multiple_of3A_779, %multiple_of3A_782] : memref<384x384x384xf32, #tpu.memory_space<hbm>> -> memref<1x56x56xf32, #tpu.memory_space<hbm>>
      %dma_wait3A_1258 = tpu.memref_squeeze %dma_wait3A_1257 : memref<1x56x56xf32, #tpu.memory_space<hbm>> -> memref<56x56xf32, #tpu.memory_space<hbm>>
      tpu.wait_dma2 semaphore(%arg11 : memref<!tpu.dma_semaphore, #tpu.memory_space<semaphore_mem>>) src(%dma_wait3A_1258 : memref<56x56xf32, #tpu.memory_space<hbm>>) dst(%dma_wait3A_1256 : memref<56x56xf32, #tpu.memory_space<vmem>>)
      %add3A_1259 = arith.constant 1 : i32
      %add3A_1260 = arith.addi %add3A_1198, %add3A_1259 : i32
      %lt3A_1261 = arith.constant 384 : i32
      %lt3A_1262 = arith.cmpi slt, %add3A_1260, %lt3A_1261 : i32
      %convert_element_type3A_1263 = arith.extui %lt3A_1262 : i1 to i32
      %cond3A_1264 = arith.constant 0 : i32
      %cond3A_1265 = arith.cmpi ne, %convert_element_type3A_1263, %cond3A_1264 : i32
      scf.if %cond3A_1265 {
        %add3A_1278 = arith.constant 1 : i32
        %add3A_1279 = arith.addi %add3A_1198, %add3A_1278 : i32
        %dma_start3A_1280 = arith.constant 0 : i32
        %dma_start3A_1281 = arith.constant 0 : i32
        %dma_start3A_1282 = tpu.memref_slice %arg8[%dma_start3A_1280, %dma_start3A_1281] : memref<264x64xf32, #tpu.memory_space<vmem>> -> memref<24x24xf32, #tpu.memory_space<vmem>>
        %dma_start3A_1283 = tpu.memref_slice %arg2[%add3A_1279, %multiple_of3A, %multiple_of3A_127] : memref<384x384x384xf32, #tpu.memory_space<hbm>> -> memref<1x24x24xf32, #tpu.memory_space<hbm>>
        %dma_start3A_1284 = tpu.memref_squeeze %dma_start3A_1283 : memref<1x24x24xf32, #tpu.memory_space<hbm>> -> memref<24x24xf32, #tpu.memory_space<hbm>>
        %dma_start3A_1285 = arith.constant 0 : i32
        %dma_start3A_1286 = arith.constant 0 : i32
        %dma_start3A_1287 = tpu.memref_slice %arg8[%dma_start3A_1285, %dma_start3A_1286] : memref<264x64xf32, #tpu.memory_space<vmem>> -> memref<24x24xf32, #tpu.memory_space<vmem>>
        %dma_start3A_1288 = tpu.memref_slice %arg2[%add3A_1279, %multiple_of3A, %multiple_of3A_127] : memref<384x384x384xf32, #tpu.memory_space<hbm>> -> memref<1x24x24xf32, #tpu.memory_space<hbm>>
        %dma_start3A_1289 = tpu.memref_squeeze %dma_start3A_1288 : memref<1x24x24xf32, #tpu.memory_space<hbm>> -> memref<24x24xf32, #tpu.memory_space<hbm>>
        tpu.enqueue_dma source(%dma_start3A_1289 : memref<24x24xf32, #tpu.memory_space<hbm>>) target(%dma_start3A_1287 : memref<24x24xf32, #tpu.memory_space<vmem>>) target_semaphore(%arg10 : memref<!tpu.dma_semaphore, #tpu.memory_space<semaphore_mem>>)
        %add3A_1290 = arith.constant 1 : i32
        %add3A_1291 = arith.addi %add3A_1198, %add3A_1290 : i32
        %dma_start3A_1292 = arith.constant 24 : i32
        %dma_start3A_1293 = arith.constant 0 : i32
        %dma_start3A_1294 = tpu.memref_slice %arg8[%dma_start3A_1292, %dma_start3A_1293] : memref<264x64xf32, #tpu.memory_space<vmem>> -> memref<24x24xf32, #tpu.memory_space<vmem>>
        %dma_start3A_1295 = tpu.memref_slice %arg2[%add3A_1291, %multiple_of3A_255, %multiple_of3A_258] : memref<384x384x384xf32, #tpu.memory_space<hbm>> -> memref<1x24x24xf32, #tpu.memory_space<hbm>>
        %dma_start3A_1296 = tpu.memref_squeeze %dma_start3A_1295 : memref<1x24x24xf32, #tpu.memory_space<hbm>> -> memref<24x24xf32, #tpu.memory_space<hbm>>
        %dma_start3A_1297 = arith.constant 24 : i32
        %dma_start3A_1298 = arith.constant 0 : i32
        %dma_start3A_1299 = tpu.memref_slice %arg8[%dma_start3A_1297, %dma_start3A_1298] : memref<264x64xf32, #tpu.memory_space<vmem>> -> memref<24x24xf32, #tpu.memory_space<vmem>>
        %dma_start3A_1300 = tpu.memref_slice %arg2[%add3A_1291, %multiple_of3A_255, %multiple_of3A_258] : memref<384x384x384xf32, #tpu.memory_space<hbm>> -> memref<1x24x24xf32, #tpu.memory_space<hbm>>
        %dma_start3A_1301 = tpu.memref_squeeze %dma_start3A_1300 : memref<1x24x24xf32, #tpu.memory_space<hbm>> -> memref<24x24xf32, #tpu.memory_space<hbm>>
        tpu.enqueue_dma source(%dma_start3A_1301 : memref<24x24xf32, #tpu.memory_space<hbm>>) target(%dma_start3A_1299 : memref<24x24xf32, #tpu.memory_space<vmem>>) target_semaphore(%arg10 : memref<!tpu.dma_semaphore, #tpu.memory_space<semaphore_mem>>)
        %add3A_1302 = arith.constant 1 : i32
        %add3A_1303 = arith.addi %add3A_1198, %add3A_1302 : i32
        %dma_start3A_1304 = arith.constant 48 : i32
        %dma_start3A_1305 = arith.constant 0 : i32
        %dma_start3A_1306 = tpu.memref_slice %arg8[%dma_start3A_1304, %dma_start3A_1305] : memref<264x64xf32, #tpu.memory_space<vmem>> -> memref<40x40xf32, #tpu.memory_space<vmem>>
        %dma_start3A_1307 = tpu.memref_slice %arg2[%add3A_1303, %multiple_of3A_386, %multiple_of3A_389] : memref<384x384x384xf32, #tpu.memory_space<hbm>> -> memref<1x40x40xf32, #tpu.memory_space<hbm>>
        %dma_start3A_1308 = tpu.memref_squeeze %dma_start3A_1307 : memref<1x40x40xf32, #tpu.memory_space<hbm>> -> memref<40x40xf32, #tpu.memory_space<hbm>>
        %dma_start3A_1309 = arith.constant 48 : i32
        %dma_start3A_1310 = arith.constant 0 : i32
        %dma_start3A_1311 = tpu.memref_slice %arg8[%dma_start3A_1309, %dma_start3A_1310] : memref<264x64xf32, #tpu.memory_space<vmem>> -> memref<40x40xf32, #tpu.memory_space<vmem>>
        %dma_start3A_1312 = tpu.memref_slice %arg2[%add3A_1303, %multiple_of3A_386, %multiple_of3A_389] : memref<384x384x384xf32, #tpu.memory_space<hbm>> -> memref<1x40x40xf32, #tpu.memory_space<hbm>>
        %dma_start3A_1313 = tpu.memref_squeeze %dma_start3A_1312 : memref<1x40x40xf32, #tpu.memory_space<hbm>> -> memref<40x40xf32, #tpu.memory_space<hbm>>
        tpu.enqueue_dma source(%dma_start3A_1313 : memref<40x40xf32, #tpu.memory_space<hbm>>) target(%dma_start3A_1311 : memref<40x40xf32, #tpu.memory_space<vmem>>) target_semaphore(%arg10 : memref<!tpu.dma_semaphore, #tpu.memory_space<semaphore_mem>>)
        %add3A_1314 = arith.constant 1 : i32
        %add3A_1315 = arith.addi %add3A_1198, %add3A_1314 : i32
        %dma_start3A_1316 = arith.constant 88 : i32
        %dma_start3A_1317 = arith.constant 0 : i32
        %dma_start3A_1318 = tpu.memref_slice %arg8[%dma_start3A_1316, %dma_start3A_1317] : memref<264x64xf32, #tpu.memory_space<vmem>> -> memref<48x48xf32, #tpu.memory_space<vmem>>
        %dma_start3A_1319 = tpu.memref_slice %arg2[%add3A_1315, %multiple_of3A_517, %multiple_of3A_520] : memref<384x384x384xf32, #tpu.memory_space<hbm>> -> memref<1x48x48xf32, #tpu.memory_space<hbm>>
        %dma_start3A_1320 = tpu.memref_squeeze %dma_start3A_1319 : memref<1x48x48xf32, #tpu.memory_space<hbm>> -> memref<48x48xf32, #tpu.memory_space<hbm>>
        %dma_start3A_1321 = arith.constant 88 : i32
        %dma_start3A_1322 = arith.constant 0 : i32
        %dma_start3A_1323 = tpu.memref_slice %arg8[%dma_start3A_1321, %dma_start3A_1322] : memref<264x64xf32, #tpu.memory_space<vmem>> -> memref<48x48xf32, #tpu.memory_space<vmem>>
        %dma_start3A_1324 = tpu.memref_slice %arg2[%add3A_1315, %multiple_of3A_517, %multiple_of3A_520] : memref<384x384x384xf32, #tpu.memory_space<hbm>> -> memref<1x48x48xf32, #tpu.memory_space<hbm>>
        %dma_start3A_1325 = tpu.memref_squeeze %dma_start3A_1324 : memref<1x48x48xf32, #tpu.memory_space<hbm>> -> memref<48x48xf32, #tpu.memory_space<hbm>>
        tpu.enqueue_dma source(%dma_start3A_1325 : memref<48x48xf32, #tpu.memory_space<hbm>>) target(%dma_start3A_1323 : memref<48x48xf32, #tpu.memory_space<vmem>>) target_semaphore(%arg10 : memref<!tpu.dma_semaphore, #tpu.memory_space<semaphore_mem>>)
        %add3A_1326 = arith.constant 1 : i32
        %add3A_1327 = arith.addi %add3A_1198, %add3A_1326 : i32
        %dma_start3A_1328 = arith.constant 136 : i32
        %dma_start3A_1329 = arith.constant 0 : i32
        %dma_start3A_1330 = tpu.memref_slice %arg8[%dma_start3A_1328, %dma_start3A_1329] : memref<264x64xf32, #tpu.memory_space<vmem>> -> memref<64x64xf32, #tpu.memory_space<vmem>>
        %dma_start3A_1331 = tpu.memref_slice %arg2[%add3A_1327, %multiple_of3A_648, %multiple_of3A_651] : memref<384x384x384xf32, #tpu.memory_space<hbm>> -> memref<1x64x64xf32, #tpu.memory_space<hbm>>
        %dma_start3A_1332 = tpu.memref_squeeze %dma_start3A_1331 : memref<1x64x64xf32, #tpu.memory_space<hbm>> -> memref<64x64xf32, #tpu.memory_space<hbm>>
        %dma_start3A_1333 = arith.constant 136 : i32
        %dma_start3A_1334 = arith.constant 0 : i32
        %dma_start3A_1335 = tpu.memref_slice %arg8[%dma_start3A_1333, %dma_start3A_1334] : memref<264x64xf32, #tpu.memory_space<vmem>> -> memref<64x64xf32, #tpu.memory_space<vmem>>
        %dma_start3A_1336 = tpu.memref_slice %arg2[%add3A_1327, %multiple_of3A_648, %multiple_of3A_651] : memref<384x384x384xf32, #tpu.memory_space<hbm>> -> memref<1x64x64xf32, #tpu.memory_space<hbm>>
        %dma_start3A_1337 = tpu.memref_squeeze %dma_start3A_1336 : memref<1x64x64xf32, #tpu.memory_space<hbm>> -> memref<64x64xf32, #tpu.memory_space<hbm>>
        tpu.enqueue_dma source(%dma_start3A_1337 : memref<64x64xf32, #tpu.memory_space<hbm>>) target(%dma_start3A_1335 : memref<64x64xf32, #tpu.memory_space<vmem>>) target_semaphore(%arg10 : memref<!tpu.dma_semaphore, #tpu.memory_space<semaphore_mem>>)
        %add3A_1338 = arith.constant 1 : i32
        %add3A_1339 = arith.addi %add3A_1198, %add3A_1338 : i32
        %dma_start3A_1340 = arith.constant 200 : i32
        %dma_start3A_1341 = arith.constant 0 : i32
        %dma_start3A_1342 = tpu.memref_slice %arg8[%dma_start3A_1340, %dma_start3A_1341] : memref<264x64xf32, #tpu.memory_space<vmem>> -> memref<56x56xf32, #tpu.memory_space<vmem>>
        %dma_start3A_1343 = tpu.memref_slice %arg2[%add3A_1339, %multiple_of3A_779, %multiple_of3A_782] : memref<384x384x384xf32, #tpu.memory_space<hbm>> -> memref<1x56x56xf32, #tpu.memory_space<hbm>>
        %dma_start3A_1344 = tpu.memref_squeeze %dma_start3A_1343 : memref<1x56x56xf32, #tpu.memory_space<hbm>> -> memref<56x56xf32, #tpu.memory_space<hbm>>
        %dma_start3A_1345 = arith.constant 200 : i32
        %dma_start3A_1346 = arith.constant 0 : i32
        %dma_start3A_1347 = tpu.memref_slice %arg8[%dma_start3A_1345, %dma_start3A_1346] : memref<264x64xf32, #tpu.memory_space<vmem>> -> memref<56x56xf32, #tpu.memory_space<vmem>>
        %dma_start3A_1348 = tpu.memref_slice %arg2[%add3A_1339, %multiple_of3A_779, %multiple_of3A_782] : memref<384x384x384xf32, #tpu.memory_space<hbm>> -> memref<1x56x56xf32, #tpu.memory_space<hbm>>
        %dma_start3A_1349 = tpu.memref_squeeze %dma_start3A_1348 : memref<1x56x56xf32, #tpu.memory_space<hbm>> -> memref<56x56xf32, #tpu.memory_space<hbm>>
        tpu.enqueue_dma source(%dma_start3A_1349 : memref<56x56xf32, #tpu.memory_space<hbm>>) target(%dma_start3A_1347 : memref<56x56xf32, #tpu.memory_space<vmem>>) target_semaphore(%arg10 : memref<!tpu.dma_semaphore, #tpu.memory_space<semaphore_mem>>)
      } else {
      }
      %gt3A_1266 = arith.constant 0 : i32
      %gt3A_1267 = arith.cmpi sgt, %scan3A_1118, %gt3A_1266 : i32
      %convert_element_type3A_1268 = arith.extui %gt3A_1267 : i1 to i32
      %cond3A_1269 = arith.constant 0 : i32
      %cond3A_1270 = arith.cmpi ne, %convert_element_type3A_1268, %cond3A_1269 : i32
      scf.if %cond3A_1270 {
        %dma_wait3A_1278 = tpu.memref_slice %arg4[%add3A_1198, %mul3A_2] : memref<384x147456xf32, #tpu.memory_space<hbm>> -> memref<1x4608xf32, #tpu.memory_space<hbm>>
        %dma_wait3A_1279 = tpu.memref_squeeze %dma_wait3A_1278 : memref<1x4608xf32, #tpu.memory_space<hbm>> -> memref<4608xf32, #tpu.memory_space<hbm>>
        %dma_wait3A_1280 = tpu.memref_slice %arg4[%add3A_1198, %mul3A_2] : memref<384x147456xf32, #tpu.memory_space<hbm>> -> memref<1x4608xf32, #tpu.memory_space<hbm>>
        %dma_wait3A_1281 = tpu.memref_squeeze %dma_wait3A_1280 : memref<1x4608xf32, #tpu.memory_space<hbm>> -> memref<4608xf32, #tpu.memory_space<hbm>>
        tpu.wait_dma2 semaphore(%arg13 : memref<!tpu.dma_semaphore, #tpu.memory_space<semaphore_mem>>) src(%arg7 : memref<4608xf32, #tpu.memory_space<vmem>>) dst(%dma_wait3A_1281 : memref<4608xf32, #tpu.memory_space<hbm>>)
      } else {
      }
      %parallel_loop3A_1271 = arith.constant 0 : i32
      %parallel_loop3A_1272 = arith.constant 288 : i32
      %parallel_loop3A_1273 = arith.constant 1 : i32
      scf.for %parallel_loop3A_1278 = %parallel_loop3A_1271 to %parallel_loop3A_1272 step %parallel_loop3A_1273  : i32 {
        %parallel_loop3A_1279 = arith.constant 16 : i32
        %parallel_loop3A_1280 = arith.muli %parallel_loop3A_1278, %parallel_loop3A_1279 : i32
        %parallel_loop3A_1281 = arith.index_cast %parallel_loop3A_1280 : i32 to index
        %parallel_loop3A_1282 = tpu.vector_load %arg5[%parallel_loop3A_1281] {strides = array<i32>} : memref<4608xi32, #tpu.memory_space<vmem>>, vector<16xi32>,
        %parallel_loop3A_1283 = arith.constant 15 : i32
        %parallel_loop3A_1284 = vector.broadcast %parallel_loop3A_1283 : i32 to vector<16xi32>
        %parallel_loop3A_1285 = arith.shrui %parallel_loop3A_1282, %parallel_loop3A_1284 : vector<16xi32>
        %parallel_loop3A_1286 = arith.constant 32767 : i32
        %parallel_loop3A_1287 = vector.broadcast %parallel_loop3A_1286 : i32 to vector<16xi32>
        %parallel_loop3A_1288 = arith.andi %parallel_loop3A_1282, %parallel_loop3A_1287 : vector<16xi32>
        %parallel_loop3A_1289 = arith.constant 6 : i32
        %parallel_loop3A_1290 = vector.broadcast %parallel_loop3A_1289 : i32 to vector<16xi32>
        %parallel_loop3A_1291 = arith.shrui %parallel_loop3A_1288, %parallel_loop3A_1290 : vector<16xi32>
        %parallel_loop3A_1292 = arith.constant 63 : i32
        %parallel_loop3A_1293 = vector.broadcast %parallel_loop3A_1292 : i32 to vector<16xi32>
        %parallel_loop3A_1294 = arith.andi %parallel_loop3A_1288, %parallel_loop3A_1293 : vector<16xi32>
        %parallel_loop3A_1295 = tpu.vector_load_idx %arg9[%parallel_loop3A_1291, %parallel_loop3A_1294] : memref<264x64xf32, #tpu.memory_space<vmem>>[vector<16xi32>, vector<16xi32>], vector<16xf32>,
        tpu.vector_store_idx %arg7[%parallel_loop3A_1285], %parallel_loop3A_1295 : memref<4608xf32, #tpu.memory_space<vmem>>[vector<16xi32>], vector<16xf32>,
      } {sc.loop_unroll_factor = 8 : i64, sc.parallel_access}
      %dma_start3A_1274 = tpu.memref_slice %arg4[%add3A_1198, %mul3A_2] : memref<384x147456xf32, #tpu.memory_space<hbm>> -> memref<1x4608xf32, #tpu.memory_space<hbm>>
      %dma_start3A_1275 = tpu.memref_squeeze %dma_start3A_1274 : memref<1x4608xf32, #tpu.memory_space<hbm>> -> memref<4608xf32, #tpu.memory_space<hbm>>
      %dma_start3A_1276 = tpu.memref_slice %arg4[%add3A_1198, %mul3A_2] : memref<384x147456xf32, #tpu.memory_space<hbm>> -> memref<1x4608xf32, #tpu.memory_space<hbm>>
      %dma_start3A_1277 = tpu.memref_squeeze %dma_start3A_1276 : memref<1x4608xf32, #tpu.memory_space<hbm>> -> memref<4608xf32, #tpu.memory_space<hbm>>
      tpu.enqueue_dma source(%arg7 : memref<4608xf32, #tpu.memory_space<vmem>>) target(%dma_start3A_1277 : memref<4608xf32, #tpu.memory_space<hbm>>) target_semaphore(%arg13 : memref<!tpu.dma_semaphore, #tpu.memory_space<semaphore_mem>>)
    }
    %scan3A_1108 = arith.constant 192 : i32
    %dma_wait3A = arith.constant 382 : i32
    %dma_wait3A_1109 = tpu.memref_slice %arg4[%dma_wait3A, %mul3A_2] : memref<384x147456xf32, #tpu.memory_space<hbm>> -> memref<1x4608xf32, #tpu.memory_space<hbm>>
    %dma_wait3A_1110 = tpu.memref_squeeze %dma_wait3A_1109 : memref<1x4608xf32, #tpu.memory_space<hbm>> -> memref<4608xf32, #tpu.memory_space<hbm>>
    %dma_wait3A_1111 = tpu.memref_slice %arg4[%dma_wait3A, %mul3A_2] : memref<384x147456xf32, #tpu.memory_space<hbm>> -> memref<1x4608xf32, #tpu.memory_space<hbm>>
    %dma_wait3A_1112 = tpu.memref_squeeze %dma_wait3A_1111 : memref<1x4608xf32, #tpu.memory_space<hbm>> -> memref<4608xf32, #tpu.memory_space<hbm>>
    tpu.wait_dma2 semaphore(%arg12 : memref<!tpu.dma_semaphore, #tpu.memory_space<semaphore_mem>>) src(%arg6 : memref<4608xf32, #tpu.memory_space<vmem>>) dst(%dma_wait3A_1112 : memref<4608xf32, #tpu.memory_space<hbm>>)
    %dma_wait3A_1113 = arith.constant 383 : i32
    %dma_wait3A_1114 = tpu.memref_slice %arg4[%dma_wait3A_1113, %mul3A_2] : memref<384x147456xf32, #tpu.memory_space<hbm>> -> memref<1x4608xf32, #tpu.memory_space<hbm>>
    %dma_wait3A_1115 = tpu.memref_squeeze %dma_wait3A_1114 : memref<1x4608xf32, #tpu.memory_space<hbm>> -> memref<4608xf32, #tpu.memory_space<hbm>>
    %dma_wait3A_1116 = tpu.memref_slice %arg4[%dma_wait3A_1113, %mul3A_2] : memref<384x147456xf32, #tpu.memory_space<hbm>> -> memref<1x4608xf32, #tpu.memory_space<hbm>>
    %dma_wait3A_1117 = tpu.memref_squeeze %dma_wait3A_1116 : memref<1x4608xf32, #tpu.memory_space<hbm>> -> memref<4608xf32, #tpu.memory_space<hbm>>
    tpu.wait_dma2 semaphore(%arg13 : memref<!tpu.dma_semaphore, #tpu.memory_space<semaphore_mem>>) src(%arg7 : memref<4608xf32, #tpu.memory_space<vmem>>) dst(%dma_wait3A_1117 : memref<4608xf32, #tpu.memory_space<hbm>>)
    return
  }
}

</mosaic_0001>

<sc_bundles>
// kernel: kernel.3.cloned.1.call-start
scs
__scs_entry_jumppad:
0x0: {  	(pc) =	sbr.rel $0x88, $3  }
0x1: {  	(tag) =	ssettag $0x0;
	lr =	simm.s32 $0x1  }
0x2: {  	[smem:$0x3FA0] =	sst lr;
	_ =	strace $0xD0000000  }
0x3: {  	_ = 	snop  }
0x4: {  	_ = 	snop  }
0x5: {  	_ = 	snop  }
0x6: {  	_ = 	snop  }
0x7: {  	_ = 	snop  }
__scs_overlays_trampoline_lowered:
0x8: {  	[smem:$0x3FAF] =	sst s0  }
0x9: {  	[smem:$0x3FB0] =	sst s1  }
0xa: {  	[smem:$0x3FB1] =	sst s2  }
0xb: {  	[smem:$0x3FB2] =	sst s3  }
0xc: {  	[smem:$0x3FB3] =	sst s4  }
0xd: {  	[smem:$0x3FB4] =	sst s5  }
0xe: {  	[smem:$0x3FB5] =	sst s6  }
0xf: {  	[smem:$0x3FB6] =	sst s7  }
0x10: {  	[smem:$0x3FB7] =	sst s8  }
0x11: {  	[smem:$0x3FB8] =	sst s9;
	s0 =	simm.s32 @!p0 $0x0  }
0x12: {  	s1 =	sld [smem:$0x3F9E];
	s0 =	simm.s32 @p0 $0x1  }
0x13: {  	[smem:$0x3FB9] =	sst s0;
	s0 =	simm.s32 @!p1 $0x0  }
0x14: {  	s2 =	sld [smem:$0x3F9D];
	s0 =	simm.s32 @p1 $0x1  }
0x15: {  	[smem:$0x3FBA] =	sst s0;
	s0 =	simm.s32 @!p2 $0x0  }
0x16: {  	s3 =	sld [smem:$0x3FDB];
	s0 =	simm.s32 @p2 $0x1  }
0x17: {  	s4 =	simm.s32 $0x1BF5;
	[smem:$0x3FBC] =	sst s0  }
0x18: {  	s0 =	sld [smem:$0x3F9F];
	_ =	swait.ge [sflag:s4], $0x0  }
0x19: {  	s7 =	sld [smem:$0x3FA0]  }
0x1a: {  	s8 =	sadd.s32 $0xFFFFE003, lr  }
0x1b: {  	s9 =	sadd.s32 $0xFFFFFEF7, lr;
	s5 =	simm.s32 $0xFFFFFFFF;
	p2 =	slt.u32 s8, $0xFFFFF086  }
0x1c: {  	p1 =	slt.u32 s9, $0xF7A;
	s5 =	simm.s32 @!p2 $0x0  }
0x1d: {  	s5 =	simm.s32 @p1 $0x1;
	p0 =	seq.s32 s7, s2  }
0x1e: {  	s7 =	smul.u32 @!p0 $0xF7A, s2;
	p2 =	seq.s32 @!p0 s5, $0x0  }
0x1f: {  	s9 =	smul.u32 $0xF7A, s1;
	s8 =	simm.s32 @!p0 $0x1BF5;
	p2 =	por !p2, p0  }
0x20: {  	[sflag:s8] =	ssyncset.s32 @!p0 $0xFFFFF086;
	s6 =	sadd.s32 @!p0 s3, s7;
	s7 =	simm.s32 @!p0 $0x108  }
0x21: {  	s3 =	sadd.s32 s3, s9;
	s6 =	sadd.s32 @!p0 $0x88, s6;
	s7 =	simm.s32 @p2 $0x1082  }
0x22: {  	[simem:s7], [sflag:s8] =	dma.local @!p0 [hbm:s6], $0xF7A  }
0x23: {  	s9 =	sor.u32 $0xD0000000, s2;
	s6 =	simm.s32 $0x108;
	_ =	swait.ge @!p0 [sflag:s8], $0x0  }
0x24: {  	s3 =	sadd.s32 $0x88, s3;
	s6 =	simm.s32 @!p1 $0x1082;
	[sflag:s4] =	ssyncset.s32 $0xFFFFF086  }
0x25: {  	[simem:s6], [sflag:s4] =	dma.local [hbm:s3], $0xF7A  }
0x26: {  	[smem:$0x3FA0] =	sst s1;
	(tag) =	ssettag s2;
	_ =	strace s9  }
0x27: {  	s1 =	sld [smem:$0x3FB0]  }
0x28: {  	s2 =	sld [smem:$0x3FB1]  }
0x29: {  	s4 =	sld [smem:$0x3FB3]  }
0x2a: {  	p0 =	seq.s32 s5, $0x0;
	s5 =	sld [smem:$0x3FB4]  }
0x2b: {  	s6 =	sld [smem:$0x3FB5]  }
0x2c: {  	s7 =	sld [smem:$0x3FB6]  }
0x2d: {  	s3 =	simm.s32 $0x108;
	s8 =	sld [smem:$0x3FB7]  }
0x2e: {  	s3 =	simm.s32 @!p0 $0x1082;
	s9 =	sld [smem:$0x3FB8]  }
0x2f: {  	lr =	sadd.s32 s0, s3;
	s0 =	sld [smem:$0x3FAF]  }
0x30: {  	s3 =	sld [smem:$0x3FB2]  }
0x31: {  	[smem:$0x3FBB] =	sst s10  }
0x32: {  	s10 =	sld [smem:$0x3FB9];
	_ =	sdelay $0x3  }
0x33: {  	p0 =	seq.s32 s10, $0x1;
	s10 =	sld [smem:$0x3FBB];
	_ =	sdelay $0x3  }
0x34: {  	[smem:$0x3FBB] =	sst s10  }
0x35: {  	s10 =	sld [smem:$0x3FBA];
	_ =	sdelay $0x3  }
0x36: {  	p1 =	seq.s32 s10, $0x1;
	s10 =	sld [smem:$0x3FBB];
	_ =	sdelay $0x3  }
0x37: {  	[smem:$0x3FBB] =	sst s10  }
0x38: {  	s10 =	sld [smem:$0x3FBC]  }
0x39: {  	_ = 	snop;
	(pc) =	sbr.ind lr, $3  }
0x3a: {  	_ = 	snop  }
0x3b: {  	_ = 	snop  }
0x3c: {  	p2 =	seq.s32 s10, $0x1;
	s10 =	sld [smem:$0x3FBB]  }
0x3d: {  	_ =	shalt  }
0x3e: {  	_ =	shalt  }
0x3f: {  	_ =	shalt  }
0x40: {  	_ =	shalt  }
0x41: {  	_ =	shalt  }
0x42: {  	_ =	shalt  }
0x43: {  	_ =	shalt  }
0x44: {  	_ =	shalt  }
0x45: {  	_ =	shalt  }
0x46: {  	_ =	shalt  }
0x47: {  	_ =	shalt  }
0x48: {  	_ =	shalt  }
0x49: {  	_ =	shalt  }
0x4a: {  	_ =	shalt  }
0x4b: {  	_ =	shalt  }
0x4c: {  	_ =	shalt  }
0x4d: {  	_ =	shalt  }
0x4e: {  	_ =	shalt  }
0x4f: {  	_ =	shalt  }
0x50: {  	_ =	shalt  }
0x51: {  	_ =	shalt  }
0x52: {  	_ =	shalt  }
0x53: {  	_ =	shalt  }
0x54: {  	_ =	shalt  }
0x55: {  	_ =	shalt  }
0x56: {  	_ =	shalt  }
0x57: {  	_ =	shalt  }
0x58: {  	_ =	shalt  }
0x59: {  	_ =	shalt  }
0x5a: {  	_ =	shalt  }
0x5b: {  	_ =	shalt  }
0x5c: {  	_ =	shalt  }
0x5d: {  	_ =	shalt  }
0x5e: {  	_ =	shalt  }
0x5f: {  	_ =	shalt  }
0x60: {  	_ =	shalt  }
0x61: {  	_ =	shalt  }
0x62: {  	_ =	shalt  }
0x63: {  	_ =	shalt  }
0x64: {  	_ =	shalt  }
0x65: {  	_ =	shalt  }
0x66: {  	_ =	shalt  }
0x67: {  	_ =	shalt  }
0x68: {  	_ =	shalt  }
0x69: {  	_ =	shalt  }
0x6a: {  	_ =	shalt  }
0x6b: {  	_ =	shalt  }
0x6c: {  	_ =	shalt  }
0x6d: {  	_ =	shalt  }
0x6e: {  	_ =	shalt  }
0x6f: {  	_ =	shalt  }
0x70: {  	_ =	shalt  }
0x71: {  	_ =	shalt  }
0x72: {  	_ =	shalt  }
0x73: {  	_ =	shalt  }
0x74: {  	_ =	shalt  }
0x75: {  	_ =	shalt  }
0x76: {  	_ =	shalt  }
0x77: {  	_ =	shalt  }
0x78: {  	_ =	shalt  }
0x79: {  	_ =	shalt  }
0x7a: {  	_ =	shalt  }
0x7b: {  	_ =	shalt  }
0x7c: {  	_ =	shalt  }
0x7d: {  	_ =	shalt  }
0x7e: {  	_ =	shalt  }
0x7f: {  	_ =	shalt  }
0x80: {  	_ =	shalt  }
0x81: {  	_ =	shalt  }
0x82: {  	_ =	shalt  }
0x83: {  	_ =	shalt  }
0x84: {  	_ =	shalt  }
0x85: {  	_ =	shalt  }
0x86: {  	_ =	shalt  }
0x87: {  	_ =	shalt  }
.Lfunc_end0:
.L_simem_size_0:
called_computation_lowered:
.L_overlay_start_0:
0x88: {  	s2 =	sld [smem:$0x3FD9]  }
0x89: {  	s3 =	sld [smem:$0x3FFE];
	_ =	sdelay $0x1  }
0x8a: {  	s1 =	srdreg.scid  }
0x8b: {  	s0 =	sand.u32 $0x1, s1  }
0x8c: {  	s17 =	sshll.u32 s0, $0xA;
	s2 =	sadd.s32 s3, s2  }
0x8d: {  	s2 =	sadd.s32 s2, s17  }
0x8e: {  	[smem:$0x3FC7] =	sst s2  }
0x8f: {  	_ = 	snop  }
0x90: {  	s2 =	sld [smem:$0x3FD0];
	(tm) =	ssettm $0x1  }
0x91: {  	s18 =	sld [smem:$0x3FFB];
	_ =	sdelay $0x3  }
0x92: {  	_ =	strace s18  }
0x93: {  	s3 =	sld [smem:$0x3FFC];
	_ =	sdelay $0x3  }
0x94: {  	_ =	strace s3  }
0x95: {  	s3 =	sld [smem:$0x3FFD];
	_ =	sdelay $0x3  }
0x96: {  	_ =	strace s3  }
0x97: {  	_ =	strace $0x8FFFFFFF  }
0x98: {  	s19 =	sld [smem:$0x3FDB];
	_ =	sdelay $0x1  }
0x99: {  	s4 =	simm.s32 $_scs_section_size  }
0x9a: {  	s5 =	simm.s32 $_size__tile_overlayer_lowered;
	s6 =	simm.s32 $_tile_overlayer_lowered  }
0x9b: {  	s22 =	simm.s32 $0x1BFF;
	s21 =	sshll.u32 s6, $0x1;
	s3 =	sadd.s32 s4, s19  }
0x9c: {  	s7 =	simm.s32 $0x0;
	s20 =	sshll.u32 s5, $0x1;
	s5 =	sadd.s32 s21, s3  }
0x9d: {  	[timem:s7], [sflag:s22] =	dma.local [hbm:s5], s20  }
0x9e: {  	_ =	swait.ge [sflag:s22], s20  }
0x9f: {  	s4 =	ssub.s32 $0x0, s20;
	[sflag:s22] =	ssyncset.done $0x0  }
0xa0: {  	[sflag:s22] =	ssyncadd.s32 s4;
	_ =	sdelay $0x1  }
0xa1: {  	s23 =	simm.s32 $0x1B8B  }
0xa2: {  	_ =	swait.ge [sflag:s23], $0x1  }
0xa3: {  	[sflag:s23] =	ssyncset.done $0x0  }
0xa4: {  	s25 =	simm.s32 $0x1B8E;
	s24 =	sld [smem:$0x3FFE];
	[sflag:s23] =	ssyncadd.s32 $0xFFFFFFFF  }
0xa5: {  	s26 =	simm.s32 $execute0_lowered;
	[smem:$0x3FD2] =	sst s25  }
0xa6: {  	s5 =	sshll.u32 s26, $0x1;
	_ =	strace $0x80000046;
	[dreg:$0x1] =	wrdreg $0xFFFFFFFF  }
0xa7: {  	s28 =	simm.s32 $_size_execute0_lowered;
	s3 =	sadd.s32 s3, s5;
	[dreg:$0x0] =	wrdreg $0x0  }
0xa8: {  	s5 =	sshll.u32 s28, $0x1;
	[dreg:$0x2] =	wrdreg s3  }
0xa9: {  	[dreg:$0x3] =	wrdreg s5  }
0xaa: {  	[dreg:$0x4] =	wrdreg $0xC0  }
0xab: {  	_ =	task [dreg:s7], $0x5FFFF  }
0xac: {  	[dreg:$0x1] =	wrdreg $0xFFFFFFFF  }
0xad: {  	[dreg:$0x0] =	wrdreg $0x60  }
0xae: {  	[dreg:$0x2] =	wrdreg s2  }
0xaf: {  	[dreg:$0x3] =	wrdreg s24  }
0xb0: {  	[dreg:$0x4] =	wrdreg $0x9  }
0xb1: {  	_ =	task.clear_ibuf [dreg:s7], $0x5FFFF;
	_ =	strace $0x90000046  }
0xb2: {  	s29 =	simm.s32 $0x9;
	_ =	strace $0x80000048  }
0xb3: {  	_ =	swait.ge [sflag:s29], $0x1  }
0xb4: {  	[sflag:s29] =	ssyncadd.s32 $0xFFFFFFFF  }
0xb5: {  	_ =	strace $0x90000048  }
0xb6: {  	_ =	sfence  }
0xb7: {  	s30 =	sld [smem:$0x0];
	_ =	sdelay $0x2  }
0xb8: {  	s31 =	sshll.u32 s1, $0xD;
	s1 =	sshrl.u32 s1, $0x2  }
0xb9: {  	s3 =	sand.u32 $0x4000, s31;
	s1 =	sadd.s32 s1, s30  }
0xba: {  	s0 =	sor.u32 s3, s0;
	s1 =	sshll.u32 s1, $0x11  }
0xbb: {  	s0 =	sor.u32 s1, s0  }
0xbc: {  	s0 =	sadd.s32 $0x8F2B, s0  }
0xbd: {  	[sflag:s0] =	ssyncadd.remote.s32 $0x1  }
0xbe: {  	_ =	sfence.sel $0xFFFF  }
0xbf: {  	[dreg:$0x0] =	wrdreg $0xFFFFFFFF;
	(pc) =	sbr.abs _section_cstart, $3  }
0xc0: {  	[dreg:$0x1] =	wrdreg $0xFFFFFFFF  }
0xc1: {  	_ =	task.clear_ibuf [dreg:s7], $0x2FFFF;
	_ =	strace $0x9FFFFFFF  }
0xc2: {  	(tm) =	ssettm $0x7FFFFFFF  }
0xc3: {  	_ =	shalt  }
tec
execute0_lowered:
.L_overlay_start_1:
0x0: {  	(tag) =	ssettag $0x1  }
0x1: {  	s0 =	srdreg.scid  }
0x2: {  	s1 =	stileid.u32;
	s2 =	simm.s32 $0x160C0;
	s5 =	sand.u32 $0x1, s0  }
0x3: {  	s10 =	simm.s32 $0x10118;
	s11 =	simm.s32 $0xF148;
	s0 =	sshll.u32 s5, $0x4  }
0x4: {  	s28 =	simm.s32 $0x1200;
	s29 =	simm.s32 $0x2;
	s3 =	sor.u32 s1, s0  }
0x5: {  	s30 =	simm.s32 $0x4;
	s31 =	simm.s32 $0x7800;
	p1 =	seq.s32 s3, $0x2  }
0x6: {  	p2 =	seq.s32 s3, $0x1;
	p0 =	seq.s32 s3, $0x3;
	s25 =	sand.u32 $0x1E, s3  }
0x7: {  	s4 =	sand.u32 $0x1C, s3;
	s26 =	sadd.s32 $0xFFFFFFF4, s3;
	s7 =	sadd.s32 $0xFFFFFFEC, s3  }
0x8: {  	s8 =	sadd.s32 $0xFFFFFFE5, s3;
	s0 =	simm.s32 @!p1 $0x0;
	s1 =	simm.s32 @!p0 $0x0  }
0x9: {  	p3 =	seq.s32 s25, $0x2;
	p4 =	seq.s32 s25, $0x6;
	p5 =	seq.s32 s4, $0x4  }
0xa: {  	p6 =	seq.s32 s25, $0xA;
	s10 =	simm.s32 @!p2 $0x14120;
	s0 =	simm.s32 @p1 $0x1  }
0xb: {  	s11 =	simm.s32 @!p2 $0x13148;
	[smem:$0x7F7] =	sst s0;
	s0 =	simm.s32 $0x160D0  }
0xc: {  	s1 =	simm.s32 @p0 $0x1;
	s2 =	simm.s32 @!p3 $0x170C0;
	s0 =	simm.s32 @!p2 $0x170D0  }
0xd: {  	p3 =	seq.s32 s25, $0x4;
	[smem:$0x7F8] =	sst s1;
	s0 =	simm.s32 @p1 $0x150D0  }
0xe: {  	s2 =	simm.s32 @p5 $0x150C0;
	p5 =	seq.s32 s25, $0x8;
	s0 =	simm.s32 @p0 $0x150C8  }
0xf: {  	s1 =	rddreg [dreg:$0x0];
	s2 =	simm.s32 @p5 $0x150B8;
	s0 =	simm.s32 @p3 $0x140C8  }
0x10: {  	p5 =	seq.s32 s25, $0xC;
	p3 =	seq.s32 s3, $0x8;
	s0 =	simm.s32 @p4 $0x130C0  }
0x11: {  	s9 =	sld [smem:$0x7F7];
	p4 =	seq.s32 s3, $0x9;
	s0 =	simm.s32 @p3 $0x130B8  }
0x12: {  	s12 =	sld [smem:$0x7F8];
	p0 =	seq.s32 s3, $0xE;
	s0 =	simm.s32 @p4 $0x130B0  }
0x13: {  	s2 =	simm.s32 @p6 $0x150B0;
	s6 =	simm.s32 @!p0 $0x0;
	s0 =	simm.s32 @p6 $0x140A8  }
0x14: {  	p1 =	seq.s32 s3, $0x15;
	s6 =	simm.s32 @p0 $0x1;
	s0 =	simm.s32 @p5 $0x150A0  }
0x15: {  	[smem:$0x7F9] =	sst s6;
	p6 =	seq.s32 s3, $0xF;
	s0 =	simm.s32 @p0 $0x16098  }
0x16: {  	s13 =	sld [smem:$0x7F9];
	p0 =	seq.s32 s25, $0x10;
	s0 =	simm.s32 @p6 $0x17098  }
0x17: {  	p5 =	slt.u32 s26, $0x3;
	s0 =	simm.s32 @p0 $0x18098;
	p0 =	seq.s32 s25, $0x12  }
0x18: {  	s2 =	simm.s32 @p5 $0x160A8;
	s0 =	simm.s32 @p0 $0x190A0;
	p0 =	seq.s32 s3, $0x14  }
0x19: {  	p5 =	seq.s32 s3, $0x17;
	s2 =	simm.s32 @p6 $0x170A8;
	s6 =	simm.s32 @!p0 $0x0  }
0x1a: {  	s0 =	simm.s32 @p0 $0x190A8;
	s6 =	simm.s32 @p0 $0x1;
	p0 =	seq.s32 s4, $0x10  }
0x1b: {  	s4 =	simm.s32 @!p1 $0x0;
	s0 =	simm.s32 @p1 $0x1A0A8;
	[smem:$0x7FA] =	sst s6  }
0x1c: {  	s4 =	simm.s32 @p1 $0x1;
	s2 =	simm.s32 @p0 $0x180A8;
	p0 =	seq.s32 s3, $0x16  }
0x1d: {  	p1 =	seq.s32 s25, $0x18;
	s6 =	simm.s32 $0x130F8;
	[smem:$0x7FB] =	sst s4  }
0x1e: {  	s4 =	simm.s32 @!p0 $0x0;
	s0 =	simm.s32 @p0 $0x1A0B0;
	s14 =	sld [smem:$0x7FA]  }
0x1f: {  	s6 =	simm.s32 @!p2 $0x15100;
	s4 =	simm.s32 @p0 $0x1;
	s15 =	sld [smem:$0x7FB]  }
0x20: {  	s0 =	simm.s32 @p5 $0x1A0B8;
	p0 =	slt.u32 s7, $0x3;
	s7 =	rddreg [dreg:$0x1]  }
0x21: {  	[smem:$0x7FC] =	sst s4;
	s2 =	simm.s32 @p0 $0x180B0;
	s0 =	simm.s32 @p1 $0x1A0C0  }
0x22: {  	p0 =	seq.s32 s3, $0x1A;
	p1 =	slt.u32 s8, $0x2;
	s8 =	simm.s32 $0x150D8  }
0x23: {  	s2 =	simm.s32 @p5 $0x180B8;
	s4 =	simm.s32 @!p0 $0x0;
	s0 =	simm.s32 @p0 $0x1A0C8  }
0x24: {  	s8 =	simm.s32 @!p2 $0x160E0;
	s16 =	sld [smem:$0x7FC];
	s4 =	simm.s32 @p0 $0x1  }
0x25: {  	p0 =	sgt.u32 s3, $0x17;
	s0 =	simm.s32 @p1 $0x190C8;
	p1 =	seq.s32 s3, $0x1D  }
0x26: {  	s2 =	simm.s32 @p0 $0x180C0;
	s0 =	simm.s32 @p1 $0x190D0;
	p0 =	sgt.u32 s3, $0x1D  }
0x27: {  	[smem:$0x7FD] =	sst s4;
	s0 =	simm.s32 @p0 $0x180D0;
	p0 =	seq.s32 s9, $0x1  }
0x28: {  	s4 =	simm.s32 $0x0;
	s8 =	simm.s32 @p0 $0x130D8;
	s6 =	simm.s32 @p0 $0x110F0  }
0x29: {  	s10 =	simm.s32 @p0 $0xD110;
	s11 =	simm.s32 @p0 $0xA140;
	p0 =	seq.s32 s12, $0x1  }
0x2a: {  	s17 =	sld [smem:$0x7FD];
	s8 =	simm.s32 @p0 $0x120D8;
	s6 =	simm.s32 @p0 $0xF0E8  }
0x2b: {  	s10 =	simm.s32 @p0 $0xA108;
	s11 =	simm.s32 @p0 $0x7130;
	p0 =	seq.s32 s3, $0x4  }
0x2c: {  	[smem:$0x7FF] =	sst s4;
	s8 =	simm.s32 @p0 $0x110D0;
	s6 =	simm.s32 @p0 $0xD0E0  }
0x2d: {  	s10 =	simm.s32 @p0 $0x80F8;
	s11 =	simm.s32 @p0 $0x4118;
	p0 =	seq.s32 s3, $0x5  }
0x2e: {  	s18 =	sshrl.u32 s2, $0x9;
	s8 =	simm.s32 @p0 $0x100C8;
	s6 =	simm.s32 @p0 $0xC0D8  }
0x2f: {  	s10 =	simm.s32 @p0 $0x60E8;
	s11 =	simm.s32 @p0 $0x10F8;
	p0 =	seq.s32 s3, $0x6  }
0x30: {  	s2 =	sand.u32 $0x1F8, s2;
	s8 =	simm.s32 @p0 $0x100C0;
	s6 =	simm.s32 @p0 $0xB0C8  }
0x31: {  	s10 =	simm.s32 @p0 $0x50D0;
	s11 =	simm.s32 @p0 $0xE0;
	p0 =	seq.s32 s3, $0x7  }
0x32: {  	s8 =	simm.s32 @p0 $0xF0C0;
	s6 =	simm.s32 @p0 $0xB0C0;
	s10 =	simm.s32 @p0 $0x40C0  }
0x33: {  	s11 =	simm.s32 @p0 $0xC0;
	p0 =	seq.s32 s3, $0xA;
	s8 =	simm.s32 @p3 $0xF0B0  }
0x34: {  	s6 =	simm.s32 @p3 $0xB0A8;
	s10 =	simm.s32 @p3 $0x40A0;
	s11 =	simm.s32 @p3 $0x98  }
0x35: {  	s8 =	simm.s32 @p4 $0x100A8;
	s6 =	simm.s32 @p4 $0xB098;
	s10 =	simm.s32 @p4 $0x5080  }
0x36: {  	s11 =	simm.s32 @p4 $0x78;
	s8 =	simm.s32 @p0 $0x10098;
	s6 =	simm.s32 @p0 $0xC088  }
0x37: {  	s10 =	simm.s32 @p0 $0x6068;
	s11 =	simm.s32 @p0 $0x1050;
	p0 =	seq.s32 s3, $0xB  }
0x38: {  	s12 =	ssub.s32 $0x2, s5;
	s8 =	simm.s32 @p0 $0x11090;
	s6 =	simm.s32 @p0 $0xD078  }
0x39: {  	s10 =	simm.s32 @p0 $0x7050;
	s11 =	simm.s32 @p0 $0x3038;
	p0 =	seq.s32 s3, $0xC  }
0x3a: {  	_ =	strace $0x80000047;
	s8 =	simm.s32 @p0 $0x12088;
	s6 =	simm.s32 @p0 $0xF068  }
0x3b: {  	s10 =	simm.s32 @p0 $0xA040;
	s11 =	simm.s32 @p0 $0x6020;
	p0 =	seq.s32 s3, $0xD  }
0x3c: {  	s5 =	sadd.s32 $0x4E00, s7;
	s8 =	simm.s32 @p0 $0x13080;
	s6 =	simm.s32 @p0 $0x11060  }
0x3d: {  	s10 =	simm.s32 @p0 $0xD030;
	s11 =	simm.s32 @p0 $0xA008;
	p0 =	seq.s32 s13, $0x1  }
0x3e: {  	s20 =	sshrl.u32 s0, $0x9;
	s8 =	simm.s32 @p0 $0x14080;
	s6 =	simm.s32 @p0 $0x13058  }
0x3f: {  	s10 =	simm.s32 @p0 $0x10028;
	s11 =	simm.s32 @p0 $0xE000;
	p0 =	seq.s32 s3, $0x10  }
0x40: {  	s8 =	simm.s32 @p6 $0x16078;
	s6 =	simm.s32 @p6 $0x15058;
	s10 =	simm.s32 @p6 $0x14020  }
0x41: {  	s11 =	simm.s32 @p6 $0x13000;
	s8 =	simm.s32 @p0 $0x18078;
	s6 =	simm.s32 @p0 $0x18058  }
0x42: {  	s10 =	simm.s32 @p0 $0x18020;
	s11 =	simm.s32 @p0 $0x18000;
	p0 =	seq.s32 s3, $0x11  }
0x43: {  	s0 =	sand.u32 $0x1F8, s0;
	s8 =	simm.s32 @p0 $0x18080;
	s6 =	simm.s32 @p0 $0x19058  }
0x44: {  	s10 =	simm.s32 @p0 $0x1A028;
	s11 =	simm.s32 @p0 $0x1B000;
	p0 =	seq.s32 s3, $0x12  }
0x45: {  	s13 =	sshrl.u32 s12, $0x1;
	s8 =	simm.s32 @p0 $0x19080;
	s6 =	simm.s32 @p0 $0x1B060  }
0x46: {  	s10 =	simm.s32 @p0 $0x1C030;
	s11 =	simm.s32 @p0 $0x1F008;
	p0 =	seq.s32 s3, $0x13  }
0x47: {  	s19 =	ssub.s32 s12, s13;
	s8 =	simm.s32 @p0 $0x1A088;
	s6 =	simm.s32 @p0 $0x1C068  }
0x48: {  	s10 =	simm.s32 @p0 $0x1F038;
	s11 =	simm.s32 @p0 $0x22018;
	p0 =	seq.s32 s14, $0x1  }
0x49: {  	s13 =	smul.u32 $0x180, s18;
	s8 =	simm.s32 @p0 $0x1A090;
	s6 =	simm.s32 @p0 $0x1D078  }
0x4a: {  	s10 =	simm.s32 @p0 $0x20050;
	s11 =	simm.s32 @p0 $0x25030;
	p0 =	seq.s32 s15, $0x1  }
0x4b: {  	s15 =	sor.u32 s2, s13;
	s8 =	simm.s32 @p0 $0x1B098;
	s6 =	simm.s32 @p0 $0x1E088  }
0x4c: {  	s10 =	simm.s32 @p0 $0x22068;
	s11 =	simm.s32 @p0 $0x28050;
	p0 =	seq.s32 s16, $0x1  }
0x4d: {  	s13 =	sadd.s32 s2, s13;
	s8 =	simm.s32 @p0 $0x1B0A0;
	s6 =	simm.s32 @p0 $0x1F098  }
0x4e: {  	s10 =	simm.s32 @p0 $0x23080;
	s11 =	simm.s32 @p0 $0x29070;
	p0 =	seq.s32 s3, $0x18  }
0x4f: {  	s8 =	simm.s32 @p5 $0x1C0B0;
	s6 =	simm.s32 @p5 $0x1F0A8;
	s10 =	simm.s32 @p5 $0x240A0  }
0x50: {  	s11 =	simm.s32 @p5 $0x29098;
	s8 =	simm.s32 @p0 $0x1C0C0;
	s6 =	simm.s32 @p0 $0x200C0  }
0x51: {  	s10 =	simm.s32 @p0 $0x240C0;
	s11 =	simm.s32 @p0 $0x290C0;
	p0 =	seq.s32 s3, $0x19  }
0x52: {  	s2 =	simm.s32 $0x2400;
	s8 =	simm.s32 @p0 $0x1B0C0;
	s6 =	simm.s32 @p0 $0x1F0C8  }
0x53: {  	s10 =	simm.s32 @p0 $0x230D0;
	s11 =	simm.s32 @p0 $0x290D8;
	p0 =	seq.s32 s17, $0x1  }
0x54: {  	s16 =	smul.u32 $0x180, s20;
	s8 =	simm.s32 @p0 $0x1B0C8;
	s6 =	simm.s32 @p0 $0x1E0D8  }
0x55: {  	s10 =	simm.s32 @p0 $0x220E0;
	s11 =	simm.s32 @p0 $0x280F8;
	p0 =	seq.s32 s3, $0x1B  }
0x56: {  	s23 =	sshrl.u32 s15, $0x3;
	s8 =	simm.s32 @p0 $0x1B0D0;
	s6 =	simm.s32 @p0 $0x1D0E0  }
0x57: {  	s10 =	simm.s32 @p0 $0x210F8;
	s11 =	simm.s32 @p0 $0x26110;
	p0 =	seq.s32 s3, $0x1C  }
0x58: {  	s8 =	simm.s32 @p0 $0x1A0D0;
	s6 =	simm.s32 @p0 $0x1C0E8;
	s10 =	simm.s32 @p0 $0x1F100  }
0x59: {  	s11 =	simm.s32 @p0 $0x23128;
	p0 =	seq.s32 s3, $0x1E;
	s8 =	simm.s32 @p1 $0x190D8  }
0x5a: {  	s6 =	simm.s32 @p1 $0x1B0F0;
	s10 =	simm.s32 @p1 $0x1D110;
	s11 =	simm.s32 @p1 $0x1F140  }
0x5b: {  	s8 =	simm.s32 @p0 $0x180D8;
	s6 =	simm.s32 @p0 $0x190F8;
	s10 =	simm.s32 @p0 $0x1A118  }
0x5c: {  	s11 =	simm.s32 @p0 $0x1C148;
	p0 =	seq.s32 s3, $0x1F;
	s3 =	smul.u32 $0x1200, s3  }
0x5d: {  	s24 =	sor.u32 s0, s16;
	s8 =	simm.s32 @p0 $0x180E0;
	s6 =	simm.s32 @p0 $0x180F8  }
0x5e: {  	s10 =	simm.s32 @p0 $0x18120;
	s11 =	simm.s32 @p0 $0x18148;
	s9 =	sshrl.u32 s3, $0x3  }
0x5f: {  	s21 =	sshrl.u32 s8, $0x9;
	s22 =	sshrl.u32 s6, $0x9;
	s14 =	sshrl.u32 s10, $0x9  }
0x60: {  	s17 =	sshrl.u32 s11, $0x9;
	s18 =	sand.u32 $0x1F8, s8;
	s8 =	sshrl.u32 s24, $0x3  }
0x61: {  	s6 =	sand.u32 $0x1F8, s6;
	s26 =	sand.u32 $0x1F8, s10;
	s15 =	smul.u32 $0x180, s21  }
0x62: {  	s11 =	sand.u32 $0x1F8, s11;
	s9 =	sadd.s32 s9, s7;
	s20 =	smul.u32 $0x180, s22  }
0x63: {  	s7 =	sadd.s32 s1, s23;
	s21 =	smul.u32 $0x180, s14;
	s9 =	sadd.s32 $0x600, s9  }
0x64: {  	s8 =	sadd.s32 s1, s8;
	s22 =	smul.u32 $0x180, s17;
	[dreg:$0x3] =	wrdreg s9  }
0x65: {  	s25 =	sor.u32 s18, s15;
	s23 =	sor.u32 s6, s20;
	s24 =	sor.u32 s26, s21  }
0x66: {  	s15 =	sadd.s32 s18, s15;
	s17 =	sadd.s32 s26, s21;
	s18 =	sadd.s32 s11, s22  }
0x67: {  	s26 =	smax.u32 s19, $0x1;
	s9 =	sshrl.u32 s25, $0x3;
	s25 =	sor.u32 s11, s22  }
0x68: {  	s10 =	sshrl.u32 s23, $0x3;
	s12 =	sshrl.u32 s24, $0x3;
	[dreg:$0x5] =	wrdreg s26  }
0x69: {  	s22 =	simm.s32 $0x180;
	s24 =	simm.s32 $0x1;
	s26 =	simm.s32 $0x3600  }
0x6a: {  	s9 =	sadd.s32 s1, s9;
	s14 =	sshrl.u32 s25, $0x3;
	s12 =	sadd.s32 s1, s12  }
0x6b: {  	s10 =	sadd.s32 s1, s10;
	[dreg:$0x4] =	wrdreg s12;
	s12 =	sadd.s32 s1, s14  }
0x6c: {  	v0 =	vimm.f32 $0.0e+00;
	s14 =	sadd.s32 s0, s16;
	s16 =	sadd.s32 s6, s20;
	s6 =	simm.s32 $0x0  }
.LBB2_1:
0x6d: {  	[dreg:$0x6] =	wrdreg s6  }
0x6e: {  	s0 =	rddreg [dreg:$0x3];
	s25 =	simm.s32 $0x5  }
0x6f: {  	[tilespmem:s4], [sflag:$0x5] =	stream.linear.gather [hbm4b:s0+s4], $0x1200, $0x38;
	[tilespmem:$0xBA00] =	vst v63  }
0x70: {  	_ =	swait.ge [sflag:s25], $0x1200  }
0x71: {  	[sflag:s25] =	ssyncset.done $0x0  }
0x72: {  	[sflag:s25] =	ssyncadd.s32 $0xFFFFEE00  }
0x73: {  	[tilespmem:$0x7600] =	vst v0  }
0x74: {  	[tilespmem:$0x7610] =	vst v0  }
0x75: {  	[tilespmem:$0x7620] =	vst v0  }
0x76: {  	[tilespmem:$0x7630] =	vst v0  }
0x77: {  	[tilespmem:$0x7640] =	vst v0  }
0x78: {  	[tilespmem:$0x7650] =	vst v0  }
0x79: {  	[tilespmem:$0x7660] =	vst v0  }
0x7a: {  	[tilespmem:$0x7670] =	vst v0  }
0x7b: {  	[tilespmem:$0x7680] =	vst v0  }
0x7c: {  	[tilespmem:$0x7690] =	vst v0  }
0x7d: {  	[tilespmem:$0x76A0] =	vst v0  }
0x7e: {  	[tilespmem:$0x76B0] =	vst v0  }
0x7f: {  	[tilespmem:$0x76C0] =	vst v0  }
0x80: {  	[tilespmem:$0x76D0] =	vst v0  }
0x81: {  	[tilespmem:$0x76E0] =	vst v0  }
0x82: {  	[tilespmem:$0x76F0] =	vst v0  }
0x83: {  	[tilespmem:$0x7700] =	vst v0  }
0x84: {  	[tilespmem:$0x7710] =	vst v0  }
0x85: {  	[tilespmem:$0x7720] =	vst v0  }
0x86: {  	[tilespmem:$0x7730] =	vst v0  }
0x87: {  	[tilespmem:$0x7740] =	vst v0  }
0x88: {  	[tilespmem:$0x7750] =	vst v0  }
0x89: {  	[tilespmem:$0x7760] =	vst v0  }
0x8a: {  	[tilespmem:$0x7770] =	vst v0  }
0x8b: {  	[tilespmem:$0x7780] =	vst v0  }
0x8c: {  	[tilespmem:$0x7790] =	vst v0  }
0x8d: {  	[tilespmem:$0x77A0] =	vst v0  }
0x8e: {  	[tilespmem:$0x77B0] =	vst v0  }
0x8f: {  	[tilespmem:$0x77C0] =	vst v0  }
0x90: {  	[tilespmem:$0x77D0] =	vst v0  }
0x91: {  	[tilespmem:$0x77E0] =	vst v0  }
0x92: {  	[tilespmem:$0x77F0] =	vst v0  }
0x93: {  	[tilespmem:$0xB800] =	vst v0  }
0x94: {  	[tilespmem:$0xB810] =	vst v0  }
0x95: {  	[tilespmem:$0xB820] =	vst v0  }
0x96: {  	[tilespmem:$0xB830] =	vst v0  }
0x97: {  	[tilespmem:$0xB840] =	vst v0  }
0x98: {  	[tilespmem:$0xB850] =	vst v0  }
0x99: {  	[tilespmem:$0xB860] =	vst v0  }
0x9a: {  	[tilespmem:$0xB870] =	vst v0  }
0x9b: {  	[tilespmem:$0xB880] =	vst v0  }
0x9c: {  	[tilespmem:$0xB890] =	vst v0  }
0x9d: {  	[tilespmem:$0xB8A0] =	vst v0  }
0x9e: {  	[tilespmem:$0xB8B0] =	vst v0  }
0x9f: {  	[tilespmem:$0xB8C0] =	vst v0  }
0xa0: {  	[tilespmem:$0xB8D0] =	vst v0  }
0xa1: {  	[tilespmem:$0xB8E0] =	vst v0  }
0xa2: {  	[tilespmem:$0xB8F0] =	vst v0  }
0xa3: {  	[tilespmem:$0xB900] =	vst v0  }
0xa4: {  	[tilespmem:$0xB910] =	vst v0  }
0xa5: {  	[tilespmem:$0xB920] =	vst v0  }
0xa6: {  	[tilespmem:$0xB930] =	vst v0  }
0xa7: {  	[tilespmem:$0xB940] =	vst v0  }
0xa8: {  	[tilespmem:$0xB950] =	vst v0  }
0xa9: {  	[tilespmem:$0xB960] =	vst v0  }
0xaa: {  	[tilespmem:$0xB970] =	vst v0  }
0xab: {  	[tilespmem:$0xB980] =	vst v0  }
0xac: {  	[tilespmem:$0xB990] =	vst v0  }
0xad: {  	[tilespmem:$0xB9A0] =	vst v0  }
0xae: {  	[tilespmem:$0xB9B0] =	vst v0  }
0xaf: {  	[tilespmem:$0xB9C0] =	vst v0  }
0xb0: {  	[tilespmem:$0xB9D0] =	vst v0  }
0xb1: {  	s19 =	sadd.s32 $0x0, s7;
	[tilespmem:$0xB9E0] =	vst v0  }
0xb2: {  	s6 =	simm.s32 $0x3640;
	s11 =	simm.s32 $0x3600;
	s0 =	simm.s32 $0x30;
	[tilespmem:$0xB9F0] =	vst v0  }
.LBB2_2:
0xb3: {  	[tilespmem:s11], [sflag:$0x1] =	stream.linear.gather [hbm4b:s19+s4], $0x18, $0x38;
	[tilespmem:$0xBA00] =	vst v63  }
0xb4: {  	s19 =	smov.u32 s0;
	s11 =	smov.u32 s6;
	p0 =	sne.s32 s0, $0x450  }
.Ltmp0:
0xb5: {  	s0 =	sadd.s32 $0x30, s0;
	(pc) =	sbr.rel @p0 .LBB2_2-.Ltmp0, $2  }
0xb6: {  	_ =	sdelay $0x2  }
0xb7: {  	s6 =	sadd.s32 $0x40, s6;
	s19 =	sadd.s32 s19, s7  }
0xb8: {  	[tilespmem:s11], [sflag:$0x1] =	stream.linear.gather [hbm4b:s19+s4], $0x18, $0x38;
	[tilespmem:$0xBA00] =	vst v63  }
0xb9: {  	s0 =	simm.s32 $0x3C00  }
0xba: {  	s6 =	simm.s32 $0x30;
	s19 =	sadd.s32 $0x0, s8;
	s11 =	simm.s32 $0x3C40  }
.LBB2_4:
0xbb: {  	[tilespmem:s0], [sflag:$0x1] =	stream.linear.gather [hbm4b:s19+s4], $0x18, $0x38;
	[tilespmem:$0xBA00] =	vst v63  }
0xbc: {  	s19 =	smov.u32 s6;
	s0 =	smov.u32 s11;
	p0 =	sne.s32 s6, $0x450  }
.Ltmp1:
0xbd: {  	s6 =	sadd.s32 $0x30, s6;
	(pc) =	sbr.rel @p0 .LBB2_4-.Ltmp1, $2  }
0xbe: {  	_ =	sdelay $0x2  }
0xbf: {  	s11 =	sadd.s32 $0x40, s11;
	s19 =	sadd.s32 s19, s8  }
0xc0: {  	[tilespmem:s0], [sflag:$0x1] =	stream.linear.gather [hbm4b:s19+s4], $0x18, $0x38;
	[tilespmem:$0xBA00] =	vst v63  }
0xc1: {  	s0 =	simm.s32 $0x4200  }
0xc2: {  	s6 =	simm.s32 $0x30;
	s19 =	sadd.s32 $0x0, s9;
	s11 =	simm.s32 $0x4240  }
.LBB2_6:
0xc3: {  	[tilespmem:s0], [sflag:$0x1] =	stream.linear.gather [hbm4b:s19+s4], $0x28, $0x38;
	[tilespmem:$0xBA00] =	vst v63  }
0xc4: {  	s19 =	smov.u32 s6;
	s0 =	smov.u32 s11;
	p0 =	sne.s32 s6, $0x750  }
.Ltmp2:
0xc5: {  	s6 =	sadd.s32 $0x30, s6;
	(pc) =	sbr.rel @p0 .LBB2_6-.Ltmp2, $2  }
0xc6: {  	_ =	sdelay $0x2  }
0xc7: {  	s11 =	sadd.s32 $0x40, s11;
	s19 =	sadd.s32 s19, s9  }
0xc8: {  	[tilespmem:s0], [sflag:$0x1] =	stream.linear.gather [hbm4b:s19+s4], $0x28, $0x38;
	[tilespmem:$0xBA00] =	vst v63  }
0xc9: {  	s0 =	simm.s32 $0x4C00  }
0xca: {  	s6 =	simm.s32 $0x30;
	s19 =	sadd.s32 $0x0, s10;
	s11 =	simm.s32 $0x4C40  }
.LBB2_8:
0xcb: {  	[tilespmem:s0], [sflag:$0x1] =	stream.linear.gather [hbm4b:s19+s4], $0x30, $0x38;
	[tilespmem:$0xBA00] =	vst v63  }
0xcc: {  	s19 =	smov.u32 s6;
	s0 =	smov.u32 s11;
	p0 =	sne.s32 s6, $0x8D0  }
.Ltmp3:
0xcd: {  	s6 =	sadd.s32 $0x30, s6;
	(pc) =	sbr.rel @p0 .LBB2_8-.Ltmp3, $2  }
0xce: {  	_ =	sdelay $0x2  }
0xcf: {  	s11 =	sadd.s32 $0x40, s11;
	s19 =	sadd.s32 s19, s10  }
0xd0: {  	[tilespmem:s0], [sflag:$0x1] =	stream.linear.gather [hbm4b:s19+s4], $0x30, $0x38;
	[tilespmem:$0xBA00] =	vst v63  }
0xd1: {  	s25 =	rddreg [dreg:$0x4];
	s6 =	simm.s32 $0x40  }
0xd2: {  	s11 =	simm.s32 $0x5800;
	s0 =	simm.s32 $0x6800;
	s20 =	sadd.s32 $0x0, s12  }
0xd3: {  	[tilespmem:s11], [sflag:$0x1] =	stream.strided.gather [hbm4b:s25+s6], $0x1000, s22, s6, $0x38;
	[tilespmem:$0xBA00] =	vst v63  }
0xd4: {  	s19 =	simm.s32 $0x6840;
	s11 =	simm.s32 $0x0;
	s6 =	simm.s32 $0x30  }
.LBB2_10:
0xd5: {  	[tilespmem:s0], [sflag:$0x1] =	stream.linear.gather [hbm4b:s20+s11], $0x38, $0x38;
	[tilespmem:$0xBA00] =	vst v63  }
0xd6: {  	s20 =	smov.u32 s6;
	s0 =	smov.u32 s19;
	p0 =	sne.s32 s6, $0xA50  }
.Ltmp4:
0xd7: {  	s6 =	sadd.s32 $0x30, s6;
	(pc) =	sbr.rel @p0 .LBB2_10-.Ltmp4, $2  }
0xd8: {  	_ =	sdelay $0x2  }
0xd9: {  	s19 =	sadd.s32 $0x40, s19;
	s20 =	sadd.s32 s20, s12  }
0xda: {  	[tilespmem:s0], [sflag:$0x1] =	stream.linear.gather [hbm4b:s20+s11], $0x38, $0x38;
	[tilespmem:$0xBA00] =	vst v63  }
.LBB2_12:
0xdb: {  	_ =	swait.ge [sflag:s24], $0x240  }
0xdc: {  	[sflag:s24] =	ssyncset.done $0x0  }
0xdd: {  	[sflag:s24] =	ssyncadd.s32 $0xFFFFFDC0  }
0xde: {  	_ =	swait.ge [sflag:s24], $0x240  }
0xdf: {  	[sflag:s24] =	ssyncset.done $0x0  }
0xe0: {  	[sflag:s24] =	ssyncadd.s32 $0xFFFFFDC0  }
0xe1: {  	_ =	swait.ge [sflag:s24], $0x640  }
0xe2: {  	[sflag:s24] =	ssyncset.done $0x0  }
0xe3: {  	[sflag:s24] =	ssyncadd.s32 $0xFFFFF9C0  }
0xe4: {  	_ =	swait.ge [sflag:s24], $0x900  }
0xe5: {  	[sflag:s24] =	ssyncset.done $0x0  }
0xe6: {  	s20 =	smul.u32 $0x48000, s11;
	[sflag:s24] =	ssyncadd.s32 $0xFFFFF700  }
0xe7: {  	_ =	swait.ge [sflag:s24], $0x1000  }
0xe8: {  	s19 =	sadd.s32 $0x24000, s20;
	[sflag:s24] =	ssyncset.done $0x0  }
0xe9: {  	s0 =	sadd.s32 s13, s19;
	[sflag:s24] =	ssyncadd.s32 $0xFFFFF000  }
0xea: {  	s6 =	simm.s32 $0x7800;
	s0 =	sshrl.u32 s0, $0x3;
	_ =	swait.ge [sflag:s24], $0xC40  }
0xeb: {  	s23 =	simm.s32 $0x30;
	s0 =	sadd.s32 s1, s0;
	[sflag:s24] =	ssyncset.done $0x0  }
0xec: {  	s25 =	simm.s32 $0x7840;
	s21 =	sadd.s32 $0x0, s0;
	[sflag:s24] =	ssyncadd.s32 $0xFFFFF3C0  }
.LBB2_13:
0xed: {  	[tilespmem:s6], [sflag:$0x2] =	stream.linear.gather [hbm4b:s21+s4], $0x18, $0x38;
	[tilespmem:$0xBA00] =	vst v63  }
0xee: {  	s21 =	smov.u32 s23;
	s6 =	smov.u32 s25;
	p0 =	sne.s32 s23, $0x450  }
.Ltmp5:
0xef: {  	s23 =	sadd.s32 $0x30, s23;
	(pc) =	sbr.rel @p0 .LBB2_13-.Ltmp5, $2  }
0xf0: {  	_ =	sdelay $0x2  }
0xf1: {  	s25 =	sadd.s32 $0x40, s25;
	s21 =	sadd.s32 s21, s0  }
0xf2: {  	[tilespmem:s6], [sflag:$0x2] =	stream.linear.gather [hbm4b:s21+s4], $0x18, $0x38;
	[tilespmem:$0xBA00] =	vst v63  }
0xf3: {  	s0 =	sadd.s32 s14, s19  }
0xf4: {  	s0 =	sshrl.u32 s0, $0x3  }
0xf5: {  	s6 =	simm.s32 $0x7E00;
	s0 =	sadd.s32 s1, s0  }
0xf6: {  	s23 =	simm.s32 $0x30;
	s25 =	simm.s32 $0x7E40;
	s21 =	sadd.s32 $0x0, s0  }
.LBB2_15:
0xf7: {  	[tilespmem:s6], [sflag:$0x2] =	stream.linear.gather [hbm4b:s21+s4], $0x18, $0x38;
	[tilespmem:$0xBA00] =	vst v63  }
0xf8: {  	s21 =	smov.u32 s23;
	s6 =	smov.u32 s25;
	p0 =	sne.s32 s23, $0x450  }
.Ltmp6:
0xf9: {  	s23 =	sadd.s32 $0x30, s23;
	(pc) =	sbr.rel @p0 .LBB2_15-.Ltmp6, $2  }
0xfa: {  	_ =	sdelay $0x2  }
0xfb: {  	s25 =	sadd.s32 $0x40, s25;
	s21 =	sadd.s32 s21, s0  }
0xfc: {  	[tilespmem:s6], [sflag:$0x2] =	stream.linear.gather [hbm4b:s21+s4], $0x18, $0x38;
	[tilespmem:$0xBA00] =	vst v63  }
0xfd: {  	s0 =	sadd.s32 s15, s19  }
0xfe: {  	s0 =	sshrl.u32 s0, $0x3  }
0xff: {  	s6 =	simm.s32 $0x8400;
	s0 =	sadd.s32 s1, s0  }
0x100: {  	s23 =	simm.s32 $0x30;
	s25 =	simm.s32 $0x8440;
	s21 =	sadd.s32 $0x0, s0  }
.LBB2_17:
0x101: {  	[tilespmem:s6], [sflag:$0x2] =	stream.linear.gather [hbm4b:s21+s4], $0x28, $0x38;
	[tilespmem:$0xBA00] =	vst v63  }
0x102: {  	s21 =	smov.u32 s23;
	s6 =	smov.u32 s25;
	p0 =	sne.s32 s23, $0x750  }
.Ltmp7:
0x103: {  	s23 =	sadd.s32 $0x30, s23;
	(pc) =	sbr.rel @p0 .LBB2_17-.Ltmp7, $2  }
0x104: {  	_ =	sdelay $0x2  }
0x105: {  	s25 =	sadd.s32 $0x40, s25;
	s21 =	sadd.s32 s21, s0  }
0x106: {  	[tilespmem:s6], [sflag:$0x2] =	stream.linear.gather [hbm4b:s21+s4], $0x28, $0x38;
	[tilespmem:$0xBA00] =	vst v63  }
0x107: {  	s0 =	sadd.s32 s16, s19  }
0x108: {  	s0 =	sshrl.u32 s0, $0x3  }
0x109: {  	s6 =	simm.s32 $0x8E00;
	s0 =	sadd.s32 s1, s0  }
0x10a: {  	s23 =	simm.s32 $0x30;
	s25 =	simm.s32 $0x8E40;
	s21 =	sadd.s32 $0x0, s0  }
.LBB2_19:
0x10b: {  	[tilespmem:s6], [sflag:$0x2] =	stream.linear.gather [hbm4b:s21+s4], $0x30, $0x38;
	[tilespmem:$0xBA00] =	vst v63  }
0x10c: {  	s21 =	smov.u32 s23;
	s6 =	smov.u32 s25;
	p0 =	sne.s32 s23, $0x8D0  }
.Ltmp8:
0x10d: {  	s23 =	sadd.s32 $0x30, s23;
	(pc) =	sbr.rel @p0 .LBB2_19-.Ltmp8, $2  }
0x10e: {  	_ =	sdelay $0x2  }
0x10f: {  	s25 =	sadd.s32 $0x40, s25;
	s21 =	sadd.s32 s21, s0  }
0x110: {  	[tilespmem:s6], [sflag:$0x2] =	stream.linear.gather [hbm4b:s21+s4], $0x30, $0x38;
	[tilespmem:$0xBA00] =	vst v63  }
0x111: {  	s0 =	sadd.s32 s17, s19  }
0x112: {  	s21 =	simm.s32 $0x40;
	s0 =	sshrl.u32 s0, $0x3  }
0x113: {  	s23 =	simm.s32 $0x9A00;
	s25 =	sadd.s32 s18, s19;
	s0 =	sadd.s32 s1, s0  }
0x114: {  	[tilespmem:s23], [sflag:$0x2] =	stream.strided.gather [hbm4b:s0+s21], $0x1000, s22, s21, $0x38;
	[tilespmem:$0xBA00] =	vst v63  }
0x115: {  	s0 =	sshrl.u32 s25, $0x3  }
0x116: {  	s6 =	simm.s32 $0xAA00;
	s0 =	sadd.s32 s1, s0  }
0x117: {  	s23 =	simm.s32 $0x30;
	s25 =	simm.s32 $0xAA40;
	s21 =	sadd.s32 $0x0, s0  }
.LBB2_21:
0x118: {  	[tilespmem:s6], [sflag:$0x2] =	stream.linear.gather [hbm4b:s21+s4], $0x38, $0x38;
	[tilespmem:$0xBA00] =	vst v63  }
0x119: {  	s21 =	smov.u32 s23;
	s6 =	smov.u32 s25;
	p0 =	sne.s32 s23, $0xA50  }
.Ltmp9:
0x11a: {  	s23 =	sadd.s32 $0x30, s23;
	(pc) =	sbr.rel @p0 .LBB2_21-.Ltmp9, $2  }
0x11b: {  	_ =	sdelay $0x2  }
0x11c: {  	s25 =	sadd.s32 $0x40, s25;
	s21 =	sadd.s32 s21, s0  }
0x11d: {  	[tilespmem:s6], [sflag:$0x2] =	stream.linear.gather [hbm4b:s21+s4], $0x38, $0x38;
	[tilespmem:$0xBA00] =	vst v63  }
0x11e: {  	p0 =	seq.s32 s11, $0x0  }
0x11f: {  	s0 =	simm.s32 @!p0 $0x3  }
0x120: {  	_ =	swait.ge @!p0 [sflag:s0], $0x1200  }
0x121: {  	[sflag:s0] =	ssyncset.done @!p0 $0x0  }
0x122: {  	s25 =	simm.s32 $0x40;
	[sflag:s0] =	ssyncadd.s32 @!p0 $0xFFFFEE00  }
0x123: {  	v2 =	vld [tilespmem:s25+$0x30]  }
0x124: {  	v1 =	vld [tilespmem:s25+$0xFFFFFFD0]  }
0x125: {  	v7 =	vld [tilespmem:s25+$0x0];
	_ =	sdelay $0x1  }
0x126: {  	v3 =	vld [tilespmem:s25+$0xFFFFFFE0]  }
0x127: {  	v5 =	vld [tilespmem:s25+$0xFFFFFFF0];
	v4 =	vand.u32 $0x7FFF, v2  }
0x128: {  	v8 =	vld [tilespmem:s25+$0x10];
	v6 =	vand.u32 $0x7FFF, v1  }
0x129: {  	v14 =	vld [tilespmem:s25+$0x20];
	v16 =	vand.u32 $0x7FFF, v7;
	_ =	sdelay $0x1  }
0x12a: {  	v15 =	vld [tilespmem:s25+$0xFFFFFFC0];
	v9 =	vand.u32 $0x7FFF, v3  }
0x12b: {  	v13 =	vand.u32 $0x7FFF, v5;
	v11 =	vld.idx.msk [tilespmem:v4+s26+$0x0], $0xffff  }
0x12c: {  	v17 =	vand.u32 $0x7FFF, v8;
	v10 =	vld.idx.msk [tilespmem:v6+s26+$0x0], $0xffff;
	v4 =	vshrl.u32 v1, $0xF;
	v6 =	vshrl.u32 v3, $0xF  }
0x12d: {  	v1 =	vshrl.u32 v14, $0xF;
	v3 =	vand.u32 $0x7FFF, v14;
	v14 =	vld.idx.msk [tilespmem:v16+s26+$0x0], $0xffff;
	v16 =	vshrl.u32 v2, $0xF;
	_ =	sdelay $0x1  }
0x12e: {  	v12 =	vld.idx.msk [tilespmem:v9+s26+$0x0], $0xffff  }
0x12f: {  	v5 =	vshrl.u32 v5, $0xF;
	v7 =	vshrl.u32 v7, $0xF;
	v13 =	vld.idx.msk [tilespmem:v13+s26+$0x0], $0xffff  }
0x130: {  	s6 =	simm.s32 $0xC0;
	s0 =	simm.s32 $0x0;
	v8 =	vshrl.u32 v8, $0xF;
	v2 =	vshrl.u32 v15, $0xF;
	v9 =	vand.u32 $0x7FFF, v15;
	v15 =	vld.idx.msk [tilespmem:v17+s26+$0x0], $0xffff  }
.LBB2_23:
0x131: {  	v17 =	vld [tilespmem:s6+$0x30];
	s0 =	sadd.s32 $0x8, s0;
	[tilespmem:v16+s28+$0x0] =	vst.idx.msk $0xffff, v11  }
0x132: {  	v11 =	vld [tilespmem:s6+$0xFFFFFFD0];
	p1 =	slt.u32 s0, $0x118;
	[tilespmem:v4+s28+$0x0] =	vst.idx.msk $0xffff, v10  }
0x133: {  	v10 =	vld [tilespmem:s6+$0xFFFFFFE0];
	[tilespmem:v6+s28+$0x0] =	vst.idx.msk $0xffff, v12  }
0x134: {  	v12 =	vld [tilespmem:s6+$0xFFFFFFF0];
	[tilespmem:v5+s28+$0x0] =	vst.idx.msk $0xffff, v13  }
0x135: {  	v13 =	vld [tilespmem:s6+$0x0];
	[tilespmem:v7+s28+$0x0] =	vst.idx.msk $0xffff, v14  }
0x136: {  	v14 =	vld [tilespmem:s6+$0x10];
	v16 =	vand.u32 $0x7FFF, v17;
	[tilespmem:v8+s28+$0x0] =	vst.idx.msk $0xffff, v15  }
0x137: {  	v4 =	vshrl.u32 v11, $0xF;
	v15 =	vand.u32 $0x7FFF, v11;
	v18 =	vld [tilespmem:s6+$0x20]  }
0x138: {  	v19 =	vld [tilespmem:s6+$0xFFFFFFC0];
	v6 =	vshrl.u32 v10, $0xF;
	v20 =	vand.u32 $0x7FFF, v10  }
0x139: {  	v5 =	vshrl.u32 v12, $0xF;
	v21 =	vand.u32 $0x7FFF, v12;
	v22 =	vld.idx.msk [tilespmem:v9+s26+$0x0], $0xffff  }
0x13a: {  	v7 =	vshrl.u32 v13, $0xF;
	v23 =	vand.u32 $0x7FFF, v13;
	v24 =	vld.idx.msk [tilespmem:v3+s26+$0x0], $0xffff  }
0x13b: {  	v8 =	vshrl.u32 v14, $0xF;
	v25 =	vand.u32 $0x7FFF, v14;
	v11 =	vld.idx.msk [tilespmem:v16+s26+$0x0], $0xffff  }
.Ltmp10:
0x13c: {  	v16 =	vshrl.u32 v17, $0xF;
	v10 =	vld.idx.msk [tilespmem:v15+s26+$0x0], $0xffff;
	v26 =	vshrl.u32 v18, $0xF;
	v3 =	vand.u32 $0x7FFF, v18;
	(pc) =	sbr.rel @p1 .LBB2_23-.Ltmp10, $4  }
0x13d: {  	v15 =	vshrl.u32 v19, $0xF;
	v9 =	vand.u32 $0x7FFF, v19;
	v12 =	vld.idx.msk [tilespmem:v20+s26+$0x0], $0xffff  }
0x13e: {  	v13 =	vld.idx.msk [tilespmem:v21+s26+$0x0], $0xffff  }
0x13f: {  	v14 =	vld.idx.msk [tilespmem:v23+s26+$0x0], $0xffff;
	[tilespmem:v2+s28+$0x0] =	vst.idx.msk $0xffff, v22;
	v2 =	vmov v15  }
0x140: {  	s6 =	sadd.s32 $0x80, s6;
	v15 =	vld.idx.msk [tilespmem:v25+s26+$0x0], $0xffff;
	[tilespmem:v1+s28+$0x0] =	vst.idx.msk $0xffff, v24;
	v1 =	vmov v26  }
0x141: {  	_ =	sdelay $0x3  }
0x142: {  	[tilespmem:v16+s28+$0x0] =	vst.idx.msk $0xffff, v11  }
0x143: {  	[tilespmem:v4+s28+$0x0] =	vst.idx.msk $0xffff, v10;
	v63 =	vld.idx.msk [tilespmem:v9+s26+$0x0], $0xffff  }
0x144: {  	v3 =	vld.idx.msk [tilespmem:v3+s26+$0x0], $0xffff;
	[tilespmem:v6+s28+$0x0] =	vst.idx.msk $0xffff, v12  }
0x145: {  	[tilespmem:v5+s28+$0x0] =	vst.idx.msk $0xffff, v13  }
0x146: {  	[tilespmem:v7+s28+$0x0] =	vst.idx.msk $0xffff, v14  }
0x147: {  	s0 =	sadd.s32 s3, s20;
	[tilespmem:v8+s28+$0x0] =	vst.idx.msk $0xffff, v15  }
0x148: {  	s0 =	sshrl.u32 s0, $0x3;
	[tilespmem:v2+s28+$0x0] =	vst.idx.msk $0xffff, v63  }
0x149: {  	s0 =	sadd.s32 s5, s0;
	[tilespmem:v1+s28+$0x0] =	vst.idx.msk $0xffff, v3  }
0x14a: {  	[hbm4b:s0+s4] =	stream.linear.scatter [tilespmem:s28], [sflag:$0x3], $0x1200, $0x38;
	[tilespmem:$0xBA00] =	vst v63  }
0x14b: {  	_ =	swait.ge [sflag:s29], $0x240  }
0x14c: {  	[sflag:s29] =	ssyncset.done $0x0  }
0x14d: {  	[sflag:s29] =	ssyncadd.s32 $0xFFFFFDC0  }
0x14e: {  	_ =	swait.ge [sflag:s29], $0x240  }
0x14f: {  	[sflag:s29] =	ssyncset.done $0x0  }
0x150: {  	[sflag:s29] =	ssyncadd.s32 $0xFFFFFDC0  }
0x151: {  	_ =	swait.ge [sflag:s29], $0x640  }
0x152: {  	[sflag:s29] =	ssyncset.done $0x0  }
0x153: {  	[sflag:s29] =	ssyncadd.s32 $0xFFFFF9C0  }
0x154: {  	_ =	swait.ge [sflag:s29], $0x900  }
0x155: {  	[sflag:s29] =	ssyncset.done $0x0  }
0x156: {  	[sflag:s29] =	ssyncadd.s32 $0xFFFFF700  }
0x157: {  	p1 =	seq.s32 s11, $0xBF;
	_ =	swait.ge [sflag:s29], $0x1000  }
.Ltmp11:
0x158: {  	[sflag:s29] =	ssyncset.done $0x0;
	(pc) =	sbr.rel @p1 .LBB2_36-.Ltmp11, $4  }
0x159: {  	[sflag:s29] =	ssyncadd.s32 $0xFFFFF000  }
0x15a: {  	_ =	swait.ge [sflag:s29], $0xC40  }
0x15b: {  	[sflag:s29] =	ssyncset.done $0x0  }
0x15c: {  	[sflag:s29] =	ssyncadd.s32 $0xFFFFF3C0  }
0x15d: {  	s20 =	sadd.s32 $0x48000, s20  }
0x15e: {  	s0 =	sadd.s32 s13, s20  }
0x15f: {  	s0 =	sshrl.u32 s0, $0x3  }
0x160: {  	s6 =	simm.s32 $0x3600;
	s0 =	sadd.s32 s1, s0  }
0x161: {  	s23 =	simm.s32 $0x30;
	s25 =	simm.s32 $0x3640;
	s21 =	sadd.s32 $0x0, s0  }
.LBB2_26:
0x162: {  	[tilespmem:s6], [sflag:$0x1] =	stream.linear.gather [hbm4b:s21+s4], $0x18, $0x38;
	[tilespmem:$0xBA00] =	vst v63  }
0x163: {  	s21 =	smov.u32 s23;
	s6 =	smov.u32 s25;
	p1 =	sne.s32 s23, $0x450  }
.Ltmp12:
0x164: {  	s23 =	sadd.s32 $0x30, s23;
	(pc) =	sbr.rel @p1 .LBB2_26-.Ltmp12, $2  }
0x165: {  	_ =	sdelay $0x2  }
0x166: {  	s25 =	sadd.s32 $0x40, s25;
	s21 =	sadd.s32 s21, s0  }
0x167: {  	[tilespmem:s6], [sflag:$0x1] =	stream.linear.gather [hbm4b:s21+s4], $0x18, $0x38;
	[tilespmem:$0xBA00] =	vst v63  }
0x168: {  	s0 =	sadd.s32 s14, s20  }
0x169: {  	s0 =	sshrl.u32 s0, $0x3  }
0x16a: {  	s6 =	simm.s32 $0x3C00;
	s0 =	sadd.s32 s1, s0  }
0x16b: {  	s23 =	simm.s32 $0x30;
	s25 =	simm.s32 $0x3C40;
	s21 =	sadd.s32 $0x0, s0  }
.LBB2_28:
0x16c: {  	[tilespmem:s6], [sflag:$0x1] =	stream.linear.gather [hbm4b:s21+s4], $0x18, $0x38;
	[tilespmem:$0xBA00] =	vst v63  }
0x16d: {  	s21 =	smov.u32 s23;
	s6 =	smov.u32 s25;
	p1 =	sne.s32 s23, $0x450  }
.Ltmp13:
0x16e: {  	s23 =	sadd.s32 $0x30, s23;
	(pc) =	sbr.rel @p1 .LBB2_28-.Ltmp13, $2  }
0x16f: {  	_ =	sdelay $0x2  }
0x170: {  	s25 =	sadd.s32 $0x40, s25;
	s21 =	sadd.s32 s21, s0  }
0x171: {  	[tilespmem:s6], [sflag:$0x1] =	stream.linear.gather [hbm4b:s21+s4], $0x18, $0x38;
	[tilespmem:$0xBA00] =	vst v63  }
0x172: {  	s0 =	sadd.s32 s15, s20  }
0x173: {  	s0 =	sshrl.u32 s0, $0x3  }
0x174: {  	s6 =	simm.s32 $0x4200;
	s0 =	sadd.s32 s1, s0  }
0x175: {  	s23 =	simm.s32 $0x30;
	s25 =	simm.s32 $0x4240;
	s21 =	sadd.s32 $0x0, s0  }
.LBB2_30:
0x176: {  	[tilespmem:s6], [sflag:$0x1] =	stream.linear.gather [hbm4b:s21+s4], $0x28, $0x38;
	[tilespmem:$0xBA00] =	vst v63  }
0x177: {  	s21 =	smov.u32 s23;
	s6 =	smov.u32 s25;
	p1 =	sne.s32 s23, $0x750  }
.Ltmp14:
0x178: {  	s23 =	sadd.s32 $0x30, s23;
	(pc) =	sbr.rel @p1 .LBB2_30-.Ltmp14, $2  }
0x179: {  	_ =	sdelay $0x2  }
0x17a: {  	s25 =	sadd.s32 $0x40, s25;
	s21 =	sadd.s32 s21, s0  }
0x17b: {  	[tilespmem:s6], [sflag:$0x1] =	stream.linear.gather [hbm4b:s21+s4], $0x28, $0x38;
	[tilespmem:$0xBA00] =	vst v63  }
0x17c: {  	s0 =	sadd.s32 s16, s20  }
0x17d: {  	s0 =	sshrl.u32 s0, $0x3  }
0x17e: {  	s6 =	simm.s32 $0x4C00;
	s0 =	sadd.s32 s1, s0  }
0x17f: {  	s23 =	simm.s32 $0x30;
	s25 =	simm.s32 $0x4C40;
	s21 =	sadd.s32 $0x0, s0  }
.LBB2_32:
0x180: {  	[tilespmem:s6], [sflag:$0x1] =	stream.linear.gather [hbm4b:s21+s4], $0x30, $0x38;
	[tilespmem:$0xBA00] =	vst v63  }
0x181: {  	s21 =	smov.u32 s23;
	s6 =	smov.u32 s25;
	p1 =	sne.s32 s23, $0x8D0  }
.Ltmp15:
0x182: {  	s23 =	sadd.s32 $0x30, s23;
	(pc) =	sbr.rel @p1 .LBB2_32-.Ltmp15, $2  }
0x183: {  	_ =	sdelay $0x2  }
0x184: {  	s25 =	sadd.s32 $0x40, s25;
	s21 =	sadd.s32 s21, s0  }
0x185: {  	[tilespmem:s6], [sflag:$0x1] =	stream.linear.gather [hbm4b:s21+s4], $0x30, $0x38;
	[tilespmem:$0xBA00] =	vst v63  }
0x186: {  	s0 =	sadd.s32 s17, s20  }
0x187: {  	s21 =	simm.s32 $0x40;
	s0 =	sshrl.u32 s0, $0x3  }
0x188: {  	s23 =	simm.s32 $0x5800;
	s25 =	sadd.s32 s18, s20;
	s0 =	sadd.s32 s1, s0  }
0x189: {  	[tilespmem:s23], [sflag:$0x1] =	stream.strided.gather [hbm4b:s0+s21], $0x1000, s22, s21, $0x38;
	[tilespmem:$0xBA00] =	vst v63  }
0x18a: {  	s0 =	sshrl.u32 s25, $0x3  }
0x18b: {  	s6 =	simm.s32 $0x6800;
	s0 =	sadd.s32 s1, s0  }
0x18c: {  	s20 =	simm.s32 $0x30;
	s23 =	simm.s32 $0x6840;
	s21 =	sadd.s32 $0x0, s0  }
.LBB2_34:
0x18d: {  	[tilespmem:s6], [sflag:$0x1] =	stream.linear.gather [hbm4b:s21+s4], $0x38, $0x38;
	[tilespmem:$0xBA00] =	vst v63  }
0x18e: {  	s21 =	smov.u32 s20;
	s6 =	smov.u32 s23;
	p1 =	sne.s32 s20, $0xA50  }
.Ltmp16:
0x18f: {  	s20 =	sadd.s32 $0x30, s20;
	(pc) =	sbr.rel @p1 .LBB2_34-.Ltmp16, $2  }
0x190: {  	_ =	sdelay $0x2  }
0x191: {  	s23 =	sadd.s32 $0x40, s23;
	s21 =	sadd.s32 s21, s0  }
.Ltmp17:
0x192: {  	(pc) =	sbr.rel @p0 .LBB2_37-.Ltmp17, $2  }
0x193: {  	_ =	sdelay $0x2  }
0x194: {  	[tilespmem:s6], [sflag:$0x1] =	stream.linear.gather [hbm4b:s21+s4], $0x38, $0x38;
	[tilespmem:$0xBA00] =	vst v63  }
.LBB2_36:
0x195: {  	_ =	swait.ge [sflag:s30], $0x1200  }
0x196: {  	[sflag:s30] =	ssyncset.done $0x0  }
0x197: {  	[sflag:s30] =	ssyncadd.s32 $0xFFFFEE00  }
.LBB2_37:
0x198: {  	s0 =	simm.s32 $0x40  }
0x199: {  	v2 =	vld [tilespmem:s0+$0x30]  }
0x19a: {  	v1 =	vld [tilespmem:s0+$0xFFFFFFD0]  }
0x19b: {  	v7 =	vld [tilespmem:s0+$0x0];
	_ =	sdelay $0x1  }
0x19c: {  	v3 =	vld [tilespmem:s0+$0xFFFFFFE0]  }
0x19d: {  	v5 =	vld [tilespmem:s0+$0xFFFFFFF0];
	v4 =	vand.u32 $0x7FFF, v2  }
0x19e: {  	v8 =	vld [tilespmem:s0+$0x10];
	v6 =	vand.u32 $0x7FFF, v1  }
0x19f: {  	v14 =	vld [tilespmem:s0+$0x20];
	v16 =	vand.u32 $0x7FFF, v7;
	_ =	sdelay $0x1  }
0x1a0: {  	v15 =	vld [tilespmem:s0+$0xFFFFFFC0];
	v9 =	vand.u32 $0x7FFF, v3  }
0x1a1: {  	v13 =	vand.u32 $0x7FFF, v5;
	v11 =	vld.idx.msk [tilespmem:v4+s31+$0x0], $0xffff  }
0x1a2: {  	v17 =	vand.u32 $0x7FFF, v8;
	v10 =	vld.idx.msk [tilespmem:v6+s31+$0x0], $0xffff;
	v4 =	vshrl.u32 v1, $0xF;
	v6 =	vshrl.u32 v3, $0xF  }
0x1a3: {  	v1 =	vshrl.u32 v14, $0xF;
	v3 =	vand.u32 $0x7FFF, v14;
	v14 =	vld.idx.msk [tilespmem:v16+s31+$0x0], $0xffff;
	v16 =	vshrl.u32 v2, $0xF;
	_ =	sdelay $0x1  }
0x1a4: {  	v12 =	vld.idx.msk [tilespmem:v9+s31+$0x0], $0xffff  }
0x1a5: {  	v5 =	vshrl.u32 v5, $0xF;
	v7 =	vshrl.u32 v7, $0xF;
	v13 =	vld.idx.msk [tilespmem:v13+s31+$0x0], $0xffff  }
0x1a6: {  	s6 =	simm.s32 $0xC0;
	s0 =	simm.s32 $0x0;
	v8 =	vshrl.u32 v8, $0xF;
	v2 =	vshrl.u32 v15, $0xF;
	v9 =	vand.u32 $0x7FFF, v15;
	v15 =	vld.idx.msk [tilespmem:v17+s31+$0x0], $0xffff  }
.LBB2_38:
0x1a7: {  	v17 =	vld [tilespmem:s6+$0x30];
	s0 =	sadd.s32 $0x8, s0;
	[tilespmem:v16+s2+$0x0] =	vst.idx.msk $0xffff, v11  }
0x1a8: {  	v11 =	vld [tilespmem:s6+$0xFFFFFFD0];
	p0 =	slt.u32 s0, $0x118;
	[tilespmem:v4+s2+$0x0] =	vst.idx.msk $0xffff, v10  }
0x1a9: {  	v10 =	vld [tilespmem:s6+$0xFFFFFFE0];
	[tilespmem:v6+s2+$0x0] =	vst.idx.msk $0xffff, v12  }
0x1aa: {  	v12 =	vld [tilespmem:s6+$0xFFFFFFF0];
	[tilespmem:v5+s2+$0x0] =	vst.idx.msk $0xffff, v13  }
0x1ab: {  	v13 =	vld [tilespmem:s6+$0x0];
	[tilespmem:v7+s2+$0x0] =	vst.idx.msk $0xffff, v14  }
0x1ac: {  	v14 =	vld [tilespmem:s6+$0x10];
	v16 =	vand.u32 $0x7FFF, v17;
	[tilespmem:v8+s2+$0x0] =	vst.idx.msk $0xffff, v15  }
0x1ad: {  	v4 =	vshrl.u32 v11, $0xF;
	v15 =	vand.u32 $0x7FFF, v11;
	v18 =	vld [tilespmem:s6+$0x20]  }
0x1ae: {  	v19 =	vld [tilespmem:s6+$0xFFFFFFC0];
	v6 =	vshrl.u32 v10, $0xF;
	v20 =	vand.u32 $0x7FFF, v10  }
0x1af: {  	v5 =	vshrl.u32 v12, $0xF;
	v21 =	vand.u32 $0x7FFF, v12;
	v22 =	vld.idx.msk [tilespmem:v9+s31+$0x0], $0xffff  }
0x1b0: {  	v7 =	vshrl.u32 v13, $0xF;
	v23 =	vand.u32 $0x7FFF, v13;
	v24 =	vld.idx.msk [tilespmem:v3+s31+$0x0], $0xffff  }
0x1b1: {  	v8 =	vshrl.u32 v14, $0xF;
	v25 =	vand.u32 $0x7FFF, v14;
	v11 =	vld.idx.msk [tilespmem:v16+s31+$0x0], $0xffff  }
.Ltmp18:
0x1b2: {  	v16 =	vshrl.u32 v17, $0xF;
	v10 =	vld.idx.msk [tilespmem:v15+s31+$0x0], $0xffff;
	v26 =	vshrl.u32 v18, $0xF;
	v3 =	vand.u32 $0x7FFF, v18;
	(pc) =	sbr.rel @p0 .LBB2_38-.Ltmp18, $4  }
0x1b3: {  	v15 =	vshrl.u32 v19, $0xF;
	v9 =	vand.u32 $0x7FFF, v19;
	v12 =	vld.idx.msk [tilespmem:v20+s31+$0x0], $0xffff  }
0x1b4: {  	v13 =	vld.idx.msk [tilespmem:v21+s31+$0x0], $0xffff  }
0x1b5: {  	v14 =	vld.idx.msk [tilespmem:v23+s31+$0x0], $0xffff;
	[tilespmem:v2+s2+$0x0] =	vst.idx.msk $0xffff, v22;
	v2 =	vmov v15  }
0x1b6: {  	s6 =	sadd.s32 $0x80, s6;
	v15 =	vld.idx.msk [tilespmem:v25+s31+$0x0], $0xffff;
	[tilespmem:v1+s2+$0x0] =	vst.idx.msk $0xffff, v24;
	v1 =	vmov v26  }
0x1b7: {  	_ =	sdelay $0x3  }
0x1b8: {  	[tilespmem:v16+s2+$0x0] =	vst.idx.msk $0xffff, v11  }
0x1b9: {  	[tilespmem:v4+s2+$0x0] =	vst.idx.msk $0xffff, v10;
	v63 =	vld.idx.msk [tilespmem:v9+s31+$0x0], $0xffff  }
0x1ba: {  	v3 =	vld.idx.msk [tilespmem:v3+s31+$0x0], $0xffff;
	s11 =	sadd.s32 $0x1, s11;
	[tilespmem:v6+s2+$0x0] =	vst.idx.msk $0xffff, v12  }
0x1bb: {  	p0 =	sne.s32 s11, $0xC0;
	[tilespmem:v5+s2+$0x0] =	vst.idx.msk $0xffff, v13  }
.Ltmp19:
0x1bc: {  	[tilespmem:v7+s2+$0x0] =	vst.idx.msk $0xffff, v14;
	(pc) =	sbr.rel @p0 .LBB2_12-.Ltmp19, $4  }
0x1bd: {  	s0 =	sadd.s32 s3, s19;
	[tilespmem:v8+s2+$0x0] =	vst.idx.msk $0xffff, v15  }
0x1be: {  	s0 =	sshrl.u32 s0, $0x3;
	[tilespmem:v2+s2+$0x0] =	vst.idx.msk $0xffff, v63  }
0x1bf: {  	s0 =	sadd.s32 s5, s0;
	[tilespmem:v1+s2+$0x0] =	vst.idx.msk $0xffff, v3  }
0x1c0: {  	[hbm4b:s0+s4] =	stream.linear.scatter [tilespmem:s2], [sflag:$0x4], $0x1200, $0x38;
	[tilespmem:$0xBA00] =	vst v63  }
0x1c1: {  	s0 =	simm.s32 $0x3  }
0x1c2: {  	_ =	swait.ge [sflag:s0], $0x1200  }
0x1c3: {  	[sflag:s0] =	ssyncset.done $0x0  }
0x1c4: {  	[sflag:s0] =	ssyncadd.s32 $0xFFFFEE00  }
0x1c5: {  	_ =	swait.ge [sflag:s30], $0x1200  }
0x1c6: {  	s6 =	rddreg [dreg:$0x6]  }
0x1c7: {  	s25 =	rddreg [dreg:$0x5];
	s6 =	sadd.s32 $0x1, s6  }
0x1c8: {  	p0 =	sne.s32 s6, s25  }
.Ltmp20:
0x1c9: {  	_ = 	snop;
	(pc) =	sbr.rel @p0 .LBB2_1-.Ltmp20, $3  }
0x1ca: {  	_ =	sdelay $0x1  }
0x1cb: {  	[sflag:s30] =	ssyncset.done $0x0  }
0x1cc: {  	[sflag:s30] =	ssyncadd.s32 $0xFFFFEE00  }
0x1cd: {  	_ =	sfence.sel $0x180000  }
0x1ce: {  	[bflag:$0x0] =	sbarrier.arrive $0xFFFF  }
0x1cf: {  	_ =	strace $0x90000047  }
0x1d0: {  	s0 =	stileid.u32;
	[bflag:$0x2] =	sbarrier.arrive $0xFFFF  }
0x1d1: {  	p0 =	sne.s32 s0, $0x0;
	s0 =	rddreg [dreg:$0x2]  }
0x1d2: {  	s0 =	sadd.s32 @!p0 $0x100000, s0  }
0x1d3: {  	[sflag:s0] =	ssyncadd.tile.s32 @!p0 $0x1;
	_ =	shalt  }
.Lfunc_end2:
_tile_overlayer_lowered:
.L_overlay_start_2:
0x1d4: {  	(tag) =	ssettag $0x2  }
0x1d5: {  	s0 =	rddreg [dreg:$0x0];
	s2 =	stileid.u32  }
0x1d6: {  	s1 =	rddreg [dreg:$0x1];
	p0 =	sne.s32 s2, $0x0  }
0x1d7: {  	s3 =	rddreg [dreg:$0x2];
	[bflag:$0x3] =	sbarrier.arrive $0xFFFF;
	s2 =	simm.s32 @!p0 $0x1C05  }
0x1d8: {  	[timem:s3], [sflag:s2] =	dma.local @!p0 [hbm:s0], s1  }
0x1d9: {  	s0 =	simm.s32 @!p0 $0x5  }
0x1da: {  	_ =	swait.ge @!p0 [sflag:s0], s1  }
0x1db: {  	s1 =	ssub.s32 @!p0 $0x0, s1;
	[sflag:s0] =	ssyncset.done @!p0 $0x0  }
0x1dc: {  	[sflag:s0] =	ssyncadd.s32 @!p0 s1  }
0x1dd: {  	[bflag:$0x3] =	sbarrier.arrive $0xFFFF  }
0x1de: {  	_ =	shalt  }

</sc_bundles>
